<compile_context>
chip_gen: v7x
topology: tpu7x:2x2x1
jax: 0.10.2.dev20260603
libtpu: 0.0.44.dev20260713+nightly
codegen_flags: <defaults>
</compile_context>

<pallas_src>
import math

import jax
import jax.numpy as jnp
from jax import lax
from jax.experimental import pallas as pl
from jax.experimental.pallas import tpu as pltpu

B, L, D, H = 4, 8192, 768, 12
DK = 64
U = 50
HD = H * DK
SP = 56
HS = H * SP
BLK = 1024
NL = L // BLK
SBLK = 2048
NS = L // SBLK
ABLK = 512
NA = L // ABLK
NEG = -1e30

_HI = jax.lax.Precision.HIGHEST
_H3 = jax.lax.Precision.HIGHEST
_F32 = jnp.float32
_BF16 = jnp.bfloat16


def _dot(a, b, dims, prec=None):
    return lax.dot_general(a, b, dimension_numbers=(dims, ((), ())),
                           precision=prec, preferred_element_type=_F32)


def _prep_body(xs_ref, wq_ref, wk_ref, bq_ref, bk_ref, at_ref, c_ref):
    xs = xs_ref[0]
    ks = _dot(xs, wk_ref[...], ((1,), (1,)), _H3) + bk_ref[...]
    a_rows, c_rows = [], []
    for h in range(H):
        sl = slice(h * DK, (h + 1) * DK)
        ks_h = ks[:, sl]
        a_h = _dot(ks_h, wq_ref[sl, :], ((1,), (0,)), _H3)
        c_h = _dot(ks_h, bq_ref[:, sl], ((1,), (1,)), _H3)
        a_h = a_h - jnp.mean(a_h, axis=0, keepdims=True)
        c_h = c_h - jnp.mean(c_h, axis=0, keepdims=True)
        a_rows.append(jnp.concatenate(
            [a_h, jnp.broadcast_to(a_h[0:1, :], (SP - U, D))], axis=0))
        c_rows.append(jnp.concatenate(
            [c_h, jnp.broadcast_to(c_h[0:1, :], (SP - U, 1))], axis=0))
    at_ref[0] = jnp.concatenate(a_rows, axis=0)
    c_ref[0] = jnp.concatenate(c_rows, axis=0)


def _prep(x_samp, Wq, Wk, bq2, bk2):
    return pl.pallas_call(
        _prep_body,
        grid=(B,),
        in_specs=[
            pl.BlockSpec((1, U, D), lambda b: (b, 0, 0)),
            pl.BlockSpec((D, D), lambda b: (0, 0)),
            pl.BlockSpec((D, D), lambda b: (0, 0)),
            pl.BlockSpec((1, D), lambda b: (0, 0)),
            pl.BlockSpec((1, D), lambda b: (0, 0)),
        ],
        out_specs=[
            pl.BlockSpec((1, HS, D), lambda b: (b, 0, 0)),
            pl.BlockSpec((1, HS, 1), lambda b: (b, 0, 0)),
        ],
        out_shape=[
            jax.ShapeDtypeStruct((B, HS, D), _F32),
            jax.ShapeDtypeStruct((B, HS, 1), _F32),
        ],
    )(x_samp, Wq, Wk, bq2, bk2)


def _scores_body(x_ref, at_ref, c_ref, m_ref):
    xb = x_ref[0]
    s = _dot(at_ref[0], xb, ((1,), (1,)), _H3) + c_ref[0]
    smax = jnp.max(s.reshape(H, SP, SBLK), axis=1)
    m_ref[0] = jnp.concatenate(
        [smax, jnp.full((16 - H, SBLK), NEG, _F32)], axis=0)


def _scores(x, at, c):
    return pl.pallas_call(
        _scores_body,
        grid=(B, NS),
        in_specs=[
            pl.BlockSpec((1, SBLK, D), lambda b, j: (b, j, 0)),
            pl.BlockSpec((1, HS, D), lambda b, j: (b, 0, 0)),
            pl.BlockSpec((1, HS, 1), lambda b, j: (b, 0, 0)),
        ],
        out_specs=pl.BlockSpec((1, 16, SBLK), lambda b, j: (b, 0, j)),
        out_shape=jax.ShapeDtypeStruct((B, 16, L), _F32),
    )(x, at, c)


def _topk_body(m_ref, out_ref, cur_ref):
    cur_ref[...] = m_ref[...]
    lane = lax.broadcasted_iota(jnp.int32, (B * H, L), 1)
    lane64 = lax.broadcasted_iota(jnp.int32, (B * H, 64), 1)

    def step(j, out):
        cur = cur_ref[...]
        mx = jnp.max(cur, axis=1, keepdims=True)
        idx = jnp.min(jnp.where(cur == mx, lane, L), axis=1, keepdims=True)
        cur_ref[...] = jnp.where(lane == idx, NEG, cur)
        return jnp.where(lane64 == j, idx, out)

    out_ref[...] = lax.fori_loop(
        0, U, step, jnp.full((B * H, 64), -1, jnp.int32))


def _topk(m_rows):
    return pl.pallas_call(
        _topk_body,
        grid=(1,),
        in_specs=[pl.BlockSpec((B * H, L), lambda i: (0, 0))],
        out_specs=pl.BlockSpec((B * H, 64), lambda i: (0, 0)),
        out_shape=jax.ShapeDtypeStruct((B * H, 64), jnp.int32),
        scratch_shapes=[pltpu.VMEM((B * H, L), _F32)],
    )(m_rows)


def _flash_body(x_ref, xt_ref, wq_ref, wk_ref, wv_ref, wo_ref,
                bq_ref, bk_ref, bv_ref, bo_ref,
                delta_ref, base_ref,
                qt_ref, acc_ref, ml_ref, vsum_ref, s_scr, vb_scr):
    j = pl.program_id(1)

    @pl.when(j == 0)
    def _init():
        xt = xt_ref[0].astype(_BF16)
        wq = wq_ref[...].astype(_BF16)
        for h in range(H):
            sl = slice(h * DK, (h + 1) * DK)
            q_h = _dot(xt[sl, :], wq[sl, :], ((1,), (1,))) + bq_ref[:, sl]
            qt_ref[sl, :] = q_h.astype(_BF16)
        acc_ref[...] = jnp.zeros((HD, DK), _F32)
        ml_ref[:, 0:1] = jnp.zeros((HD, 1), _F32)
        ml_ref[:, 1:2] = jnp.zeros((HD, 1), _F32)
        vsum_ref[...] = jnp.zeros((8, D), _F32)
        s_scr[...] = jnp.zeros((HD, BLK), _F32)
        vb_scr[...] = jnp.zeros((BLK, D), _BF16)

    gate_b = (j > 0).astype(_F32)
    gate_a = (j < NL).astype(_F32)

    s = s_scr[...] * (gate_b * (1.0 / math.sqrt(DK)))
    vb16 = vb_scr[...]
    mold = ml_ref[:, 0:1]
    mnew = jnp.maximum(mold, jnp.max(s, axis=1, keepdims=True))
    alpha = jnp.exp(mold - mnew)
    p = jnp.exp(s - mnew) * gate_b
    ml_ref[:, 1:2] = (ml_ref[:, 1:2] * alpha
                      + jnp.sum(p, axis=1, keepdims=True))
    ml_ref[:, 0:1] = mnew
    p16 = p.astype(_BF16)
    pv_rows = []
    for h in range(H):
        sl = slice(h * DK, (h + 1) * DK)
        pv_rows.append(_dot(p16[sl, :], vb16[:, sl], ((1,), (0,))))
    acc_ref[...] = acc_ref[...] * alpha + jnp.concatenate(pv_rows, axis=0)

    xb = x_ref[0].astype(_BF16)
    kb = (_dot(xb, wk_ref[...].astype(_BF16), ((1,), (1,)))
          + bk_ref[...]).astype(_BF16)
    vb = (_dot(xb, wv_ref[...].astype(_BF16), ((1,), (1,)))
          + bv_ref[...])
    vb_scr[...] = vb.astype(_BF16)
    vsum_ref[0:1, :] = (vsum_ref[0:1, :]
                        + gate_a * jnp.sum(vb, axis=0, keepdims=True))
    qt = qt_ref[...]
    s_rows = []
    for h in range(H):
        sl = slice(h * DK, (h + 1) * DK)
        s_rows.append(_dot(qt[sl, :], kb[:, sl], ((1,), (1,))))
    s_scr[...] = jnp.concatenate(s_rows, axis=0)

    @pl.when(j == NL)
    def _fin():
        meanv = vsum_ref[0:1, :] * (1.0 / L)
        ctx = acc_ref[...] / ml_ref[:, 1:2]
        for h in range(H):
            sl = slice(h * DK, (h + 1) * DK)
            ch = ctx[sl, :] - meanv[:, sl]
            delta_ref[0, sl, :] = _dot(
                ch, wo_ref[:, sl], ((1,), (1,)), _H3).astype(_BF16)
        base_ref[0] = _dot(meanv, wo_ref[...], ((1,), (1,)), _HI) + bo_ref[...]


def _flash(x, x_top, Wq, Wk, Wv, Wo, bq2, bk2, bv2, bo2):
    return pl.pallas_call(
        _flash_body,
        grid=(B, NL + 1),
        in_specs=[
            pl.BlockSpec((1, BLK, D),
                         lambda b, j: (b, jnp.minimum(j, NL - 1), 0)),
            pl.BlockSpec((1, HD, D), lambda b, j: (b, 0, 0)),
            pl.BlockSpec((D, D), lambda b, j: (0, 0)),
            pl.BlockSpec((D, D), lambda b, j: (0, 0)),
            pl.BlockSpec((D, D), lambda b, j: (0, 0)),
            pl.BlockSpec((D, D), lambda b, j: (0, 0)),
            pl.BlockSpec((1, D), lambda b, j: (0, 0)),
            pl.BlockSpec((1, D), lambda b, j: (0, 0)),
            pl.BlockSpec((1, D), lambda b, j: (0, 0)),
            pl.BlockSpec((1, D), lambda b, j: (0, 0)),
        ],
        out_specs=[
            pl.BlockSpec((1, HD, D), lambda b, j: (b, 0, 0)),
            pl.BlockSpec((1, 1, D), lambda b, j: (b, 0, 0)),
        ],
        out_shape=[
            jax.ShapeDtypeStruct((B, HD, D), _BF16),
            jax.ShapeDtypeStruct((B, 1, D), _F32),
        ],
        scratch_shapes=[
            pltpu.VMEM((HD, DK), _BF16),
            pltpu.VMEM((HD, DK), _F32),
            pltpu.VMEM((HD, 128), _F32),
            pltpu.VMEM((8, D), _F32),
            pltpu.VMEM((HD, BLK), _F32),
            pltpu.VMEM((BLK, D), _BF16),
        ],
    )(x, x_top, Wq, Wk, Wv, Wo, bq2, bk2, bv2, bo2)


def _asm_body(top_ref, delta_ref, base_ref, out_ref):
    j = pl.program_id(1)
    tv = top_ref[0]
    rows = lax.broadcasted_iota(jnp.int32, (ABLK, 1), 0) + j * ABLK
    p = (rows == tv).astype(_BF16)
    contrib = _dot(p, delta_ref[0], ((1,), (0,)))
    out_ref[0] = contrib + base_ref[0]


def _asm(top3, delta_bf, base):
    return pl.pallas_call(
        _asm_body,
        grid=(B, NA),
        in_specs=[
            pl.BlockSpec((1, 1, HD), lambda b, j: (b, 0, 0)),
            pl.BlockSpec((1, HD, D), lambda b, j: (b, 0, 0)),
            pl.BlockSpec((1, 1, D), lambda b, j: (b, 0, 0)),
        ],
        out_specs=pl.BlockSpec((1, ABLK, D), lambda b, j: (b, j, 0)),
        out_shape=jax.ShapeDtypeStruct((B, L, D), _F32),
    )(top3, delta_bf, base)


def kernel(x, Wq, bq, Wk, bk, Wv, bv, Wo, bo):
    idx_k = jax.random.permutation(jax.random.key(42), L)[:U]
    x_samp = x[:, idx_k, :]
    bq2 = bq.reshape(1, D)
    bk2 = bk.reshape(1, D)
    bv2 = bv.reshape(1, D)
    bo2 = bo.reshape(1, D)

    at, c = _prep(x_samp, Wq, Wk, bq2, bk2)
    m_out = _scores(x, at, c)
    m_rows = m_out[:, :H, :].reshape(B * H, L)
    _, ti = jax.lax.top_k(m_rows, U)
    top = jnp.concatenate([ti, jnp.full((B * H, 64 - U), -1, jnp.int32)], axis=1)
    top_b = top.reshape(B, HD)

    flat = (jnp.maximum(top_b, 0)
            + jnp.arange(B, dtype=jnp.int32)[:, None] * L).reshape(-1)
    x_top = x.reshape(B * L, D)[flat].reshape(B, HD, D)

    delta, base = _flash(x, x_top, Wq, Wk, Wv, Wo, bq2, bk2, bv2, bo2)
    out = _asm(top_b.reshape(B, 1, HD), delta, base)
    return out

# --- scband reference (transcript-rebuilt; emitter-appended) ---
"""Pipeline reference for scband-prob-sparse-attention-6167573037492 (READ-ONLY COPY).

The authoritative reference and input builder live on the scoring server;
editing this copy changes nothing except your own understanding.
"""

import math
import jax, jax.numpy as jnp
import numpy as np

B, L, D, H = 4, 8192, 768, 12


def setup_inputs(seed: int = 0) -> dict:
    key = jax.random.key(seed)
    ks = jax.random.split(key, 9)
    x = jax.random.normal(ks[0], (B, L, D), dtype=jnp.float32)
    s = 1.0 / math.sqrt(D)
    Wq = jax.random.uniform(ks[1], (D, D), minval=-s, maxval=s, dtype=jnp.float32)
    bq = jax.random.uniform(ks[2], (D,), minval=-s, maxval=s, dtype=jnp.float32)
    Wk = jax.random.uniform(ks[3], (D, D), minval=-s, maxval=s, dtype=jnp.float32)
    bk = jax.random.uniform(ks[4], (D,), minval=-s, maxval=s, dtype=jnp.float32)
    Wv = jax.random.uniform(ks[5], (D, D), minval=-s, maxval=s, dtype=jnp.float32)
    bv = jax.random.uniform(ks[6], (D,), minval=-s, maxval=s, dtype=jnp.float32)
    Wo = jax.random.uniform(ks[7], (D, D), minval=-s, maxval=s, dtype=jnp.float32)
    bo = jax.random.uniform(ks[8], (D,), minval=-s, maxval=s, dtype=jnp.float32)
    return {"x": x, "Wq": Wq, "bq": bq, "Wk": Wk, "bk": bk, "Wv": Wv, "bv": bv, "Wo": Wo, "bo": bo}


def reference(x, Wq, bq, Wk, bk, Wv, bv, Wo, bo):
    B_, L_, D_ = x.shape
    H_ = 12
    dk = D_ // H_
    factor = 5
    Q = (x @ Wq.T + bq).reshape(B_, L_, H_, dk).transpose(0, 2, 1, 3)
    K = (x @ Wk.T + bk).reshape(B_, L_, H_, dk).transpose(0, 2, 1, 3)
    V = (x @ Wv.T + bv).reshape(B_, L_, H_, dk).transpose(0, 2, 1, 3)
    u = max(1, min(factor * math.ceil(math.log(L_ + 1)), L_))
    # torch.randperm -> deterministic jax permutation (fixed key stands in for RNG state)
    idx_k = jax.random.permutation(jax.random.key(42), L_)[:u]
    K_samp = K[:, :, idx_k, :]
    scores = jnp.matmul(Q, jnp.swapaxes(K_samp, -1, -2)) / math.sqrt(dk)
    M = scores.max(axis=-1) - scores.mean(axis=-1)
    _, top_idx = jax.lax.top_k(M, u)
    Q_top = jnp.take_along_axis(Q, top_idx[..., None], axis=2)
    attn = jax.nn.softmax(jnp.matmul(Q_top, jnp.swapaxes(K, -1, -2)) / math.sqrt(dk), axis=-1)
    # dropout is identity in eval mode
    ctx_top = jnp.matmul(attn, V)
    ctx = jnp.broadcast_to(V.mean(axis=2, keepdims=True), (B_, H_, L_, dk))
    b_idx = jnp.arange(B_)[:, None, None]
    h_idx = jnp.arange(H_)[None, :, None]
    ctx = ctx.at[b_idx, h_idx, top_idx].set(ctx_top)
    ctx = jnp.swapaxes(ctx, 1, 2).reshape(B_, L_, H_ * dk)
    return ctx @ Wo.T + bo

if __name__ == "__main__":
    import jax
    _d = setup_inputs()
    print(jax.jit(kernel)(*tuple(_d.values())))

</pallas_src>

<mosaic_0001>
module attributes {stable_mosaic.version = 14 : i64} {
  func.func @_prep_body(%arg0: i32, %arg1: memref<1x50x768xf32, #tpu.memory_space<vmem>>, %arg2: memref<768x768xf32, #tpu.memory_space<vmem>>, %arg3: memref<768x768xf32, #tpu.memory_space<vmem>>, %arg4: memref<1x768xf32, #tpu.memory_space<vmem>>, %arg5: memref<1x768xf32, #tpu.memory_space<vmem>>, %arg6: memref<1x672x768xf32, #tpu.memory_space<vmem>>, %arg7: memref<1x672x1xf32, #tpu.memory_space<vmem>>) attributes {dimension_semantics = [#tpu.dimension_semantics<arbitrary>], iteration_bounds = array<i64: 4>, scalar_prefetch = 0 : i64, scratch_operands = 0 : i64, tpu.core_type = #tpu.core_type<tc>, window_params = [{transform_indices = @transform_0, window_bounds = array<i64: 1, 50, 768>}, {pipeline_mode = #tpu.pipeline_mode<synchronous>, transform_indices = @transform_1, window_bounds = array<i64: 768, 768>}, {pipeline_mode = #tpu.pipeline_mode<synchronous>, transform_indices = @transform_2, window_bounds = array<i64: 768, 768>}, {pipeline_mode = #tpu.pipeline_mode<synchronous>, transform_indices = @transform_3, window_bounds = array<i64: 1, 768>}, {pipeline_mode = #tpu.pipeline_mode<synchronous>, transform_indices = @transform_4, window_bounds = array<i64: 1, 768>}, {transform_indices = @transform_5, window_bounds = array<i64: 1, 672, 768>}, {transform_indices = @transform_6, window_bounds = array<i64: 1, 672, 1>}]} {
    %get3A = arith.constant 0 : index
    %get3A_0 = arith.constant 0 : index
    %get3A_1 = arith.constant 0 : index
    %get3A_2 = vector.load %arg1[%get3A, %get3A_0, %get3A_1] : memref<1x50x768xf32, #tpu.memory_space<vmem>>, vector<1x50x768xf32>
    %get3A_3 = vector.shape_cast %get3A_2 : vector<1x50x768xf32> to vector<50x768xf32>
    %get3A_4 = arith.constant 0 : index
    %get3A_5 = arith.constant 0 : index
    %get3A_6 = vector.load %arg3[%get3A_4, %get3A_5] : memref<768x768xf32, #tpu.memory_space<vmem>>, vector<768x768xf32>
    %dot_general3A = arith.constant dense<0.000000e+00> : vector<50x768xf32>
    %dot_general3A_7 = tpu.matmul %get3A_3, %get3A_6, %dot_general3A {dimension_numbers = #tpu.dot_dimension_numbers<[1], [1], [0], [0], [0, 0, 1, 0], [], []>, precision = #tpu.contract_precision<fp32>, transpose_lhs_hint = false} : vector<50x768xf32>, vector<768x768xf32>, vector<50x768xf32> -> vector<50x768xf32>
    %get3A_8 = arith.constant 0 : index
    %get3A_9 = arith.constant 0 : index
    %get3A_10 = vector.load %arg5[%get3A_8, %get3A_9] : memref<1x768xf32, #tpu.memory_space<vmem>>, vector<1x768xf32>
    %add3A = vector.broadcast %get3A_10 : vector<1x768xf32> to vector<50x768xf32>
    %add3A_11 = arith.addf %dot_general3A_7, %add3A : vector<50x768xf32>
    %slice3A = vector.extract_strided_slice %add3A_11 {offsets = [0, 0], sizes = [50, 64], strides = [1, 1]} : vector<50x768xf32> to vector<50x64xf32>
    %get3A_12 = arith.constant 0 : index
    %get3A_13 = arith.constant 0 : index
    %get3A_14 = vector.load %arg2[%get3A_12, %get3A_13] : memref<768x768xf32, #tpu.memory_space<vmem>>, vector<64x768xf32>
    %dot_general3A_15 = arith.constant dense<0.000000e+00> : vector<50x768xf32>
    %dot_general3A_16 = tpu.matmul %slice3A, %get3A_14, %dot_general3A_15 {dimension_numbers = #tpu.dot_dimension_numbers<[1], [0], [0], [1], [0, 0, 1, 1], [], []>, precision = #tpu.contract_precision<fp32>, transpose_lhs_hint = false} : vector<50x64xf32>, vector<64x768xf32>, vector<50x768xf32> -> vector<50x768xf32>
    %get3A_17 = arith.constant 0 : index
    %get3A_18 = arith.constant 0 : index
    %get3A_19 = vector.load %arg4[%get3A_17, %get3A_18] : memref<1x768xf32, #tpu.memory_space<vmem>>, vector<1x64xf32>
    %dot_general3A_20 = arith.constant dense<0.000000e+00> : vector<50x1xf32>
    %dot_general3A_21 = tpu.matmul %slice3A, %get3A_19, %dot_general3A_20 {dimension_numbers = #tpu.dot_dimension_numbers<[1], [1], [0], [0], [0, 0, 1, 0], [], []>, precision = #tpu.contract_precision<fp32>, transpose_lhs_hint = false} : vector<50x64xf32>, vector<1x64xf32>, vector<50x1xf32> -> vector<50x1xf32>
    %reduce_sum3A = arith.constant dense<0.000000e+00> : vector<768xf32>
    %reduce_sum3A_22 = vector.multi_reduction <add>, %dot_general3A_16, %reduce_sum3A [0] : vector<50x768xf32> to vector<768xf32>
    %broadcast_in_dim3A = vector.shape_cast %reduce_sum3A_22 : vector<768xf32> to vector<1x768xf32>
    %div3A = arith.constant 5.000000e+01 : f32
    %div3A_23 = vector.broadcast %div3A : f32 to vector<1x768xf32>
    %div3A_24 = arith.divf %broadcast_in_dim3A, %div3A_23 : vector<1x768xf32>
    %sub3A = vector.broadcast %div3A_24 : vector<1x768xf32> to vector<50x768xf32>
    %sub3A_25 = arith.subf %dot_general3A_16, %sub3A : vector<50x768xf32>
    %reduce_sum3A_26 = arith.constant dense<0.000000e+00> : vector<1xf32>
    %reduce_sum3A_27 = vector.multi_reduction <add>, %dot_general3A_21, %reduce_sum3A_26 [0] : vector<50x1xf32> to vector<1xf32>
    %broadcast_in_dim3A_28 = vector.shape_cast %reduce_sum3A_27 : vector<1xf32> to vector<1x1xf32>
    %div3A_29 = arith.constant 5.000000e+01 : f32
    %div3A_30 = vector.broadcast %div3A_29 : f32 to vector<1x1xf32>
    %div3A_31 = arith.divf %broadcast_in_dim3A_28, %div3A_30 : vector<1x1xf32>
    %sub3A_32 = vector.broadcast %div3A_31 : vector<1x1xf32> to vector<50x1xf32>
    %sub3A_33 = arith.subf %dot_general3A_21, %sub3A_32 : vector<50x1xf32>
    %slice3A_34 = vector.extract_strided_slice %sub3A_25 {offsets = [0, 0], sizes = [1, 768], strides = [1, 1]} : vector<50x768xf32> to vector<1x768xf32>
    %broadcast_in_dim3A_35 = vector.shape_cast %slice3A_34 : vector<1x768xf32> to vector<1x768xf32>
    %broadcast_in_dim3A_36 = vector.broadcast %broadcast_in_dim3A_35 : vector<1x768xf32> to vector<6x768xf32>
    %concatenate3A = tpu.concatenate %sub3A_25, %broadcast_in_dim3A_36 in 0 : vector<50x768xf32>, vector<6x768xf32> -> vector<56x768xf32>
    %slice3A_37 = vector.extract_strided_slice %sub3A_33 {offsets = [0, 0], sizes = [1, 1], strides = [1, 1]} : vector<50x1xf32> to vector<1x1xf32>
    %broadcast_in_dim3A_38 = vector.shape_cast %slice3A_37 : vector<1x1xf32> to vector<1x1xf32>
    %broadcast_in_dim3A_39 = vector.broadcast %broadcast_in_dim3A_38 : vector<1x1xf32> to vector<6x1xf32>
    %concatenate3A_40 = tpu.concatenate %sub3A_33, %broadcast_in_dim3A_39 in 0 : vector<50x1xf32>, vector<6x1xf32> -> vector<56x1xf32>
    %slice3A_41 = vector.extract_strided_slice %add3A_11 {offsets = [0, 64], sizes = [50, 64], strides = [1, 1]} : vector<50x768xf32> to vector<50x64xf32>
    %get3A_42 = arith.constant 64 : index
    %get3A_43 = arith.constant 0 : index
    %get3A_44 = vector.load %arg2[%get3A_42, %get3A_43] : memref<768x768xf32, #tpu.memory_space<vmem>>, vector<64x768xf32>
    %dot_general3A_45 = arith.constant dense<0.000000e+00> : vector<50x768xf32>
    %dot_general3A_46 = tpu.matmul %slice3A_41, %get3A_44, %dot_general3A_45 {dimension_numbers = #tpu.dot_dimension_numbers<[1], [0], [0], [1], [0, 0, 1, 1], [], []>, precision = #tpu.contract_precision<fp32>, transpose_lhs_hint = false} : vector<50x64xf32>, vector<64x768xf32>, vector<50x768xf32> -> vector<50x768xf32>
    %get3A_47 = arith.constant 0 : index
    %get3A_48 = arith.constant 64 : index
    %get3A_49 = vector.load %arg4[%get3A_47, %get3A_48] : memref<1x768xf32, #tpu.memory_space<vmem>>, vector<1x64xf32>
    %dot_general3A_50 = arith.constant dense<0.000000e+00> : vector<50x1xf32>
    %dot_general3A_51 = tpu.matmul %slice3A_41, %get3A_49, %dot_general3A_50 {dimension_numbers = #tpu.dot_dimension_numbers<[1], [1], [0], [0], [0, 0, 1, 0], [], []>, precision = #tpu.contract_precision<fp32>, transpose_lhs_hint = false} : vector<50x64xf32>, vector<1x64xf32>, vector<50x1xf32> -> vector<50x1xf32>
    %reduce_sum3A_52 = arith.constant dense<0.000000e+00> : vector<768xf32>
    %reduce_sum3A_53 = vector.multi_reduction <add>, %dot_general3A_46, %reduce_sum3A_52 [0] : vector<50x768xf32> to vector<768xf32>
    %broadcast_in_dim3A_54 = vector.shape_cast %reduce_sum3A_53 : vector<768xf32> to vector<1x768xf32>
    %div3A_55 = arith.constant 5.000000e+01 : f32
    %div3A_56 = vector.broadcast %div3A_55 : f32 to vector<1x768xf32>
    %div3A_57 = arith.divf %broadcast_in_dim3A_54, %div3A_56 : vector<1x768xf32>
    %sub3A_58 = vector.broadcast %div3A_57 : vector<1x768xf32> to vector<50x768xf32>
    %sub3A_59 = arith.subf %dot_general3A_46, %sub3A_58 : vector<50x768xf32>
    %reduce_sum3A_60 = arith.constant dense<0.000000e+00> : vector<1xf32>
    %reduce_sum3A_61 = vector.multi_reduction <add>, %dot_general3A_51, %reduce_sum3A_60 [0] : vector<50x1xf32> to vector<1xf32>
    %broadcast_in_dim3A_62 = vector.shape_cast %reduce_sum3A_61 : vector<1xf32> to vector<1x1xf32>
    %div3A_63 = arith.constant 5.000000e+01 : f32
    %div3A_64 = vector.broadcast %div3A_63 : f32 to vector<1x1xf32>
    %div3A_65 = arith.divf %broadcast_in_dim3A_62, %div3A_64 : vector<1x1xf32>
    %sub3A_66 = vector.broadcast %div3A_65 : vector<1x1xf32> to vector<50x1xf32>
    %sub3A_67 = arith.subf %dot_general3A_51, %sub3A_66 : vector<50x1xf32>
    %slice3A_68 = vector.extract_strided_slice %sub3A_59 {offsets = [0, 0], sizes = [1, 768], strides = [1, 1]} : vector<50x768xf32> to vector<1x768xf32>
    %broadcast_in_dim3A_69 = vector.shape_cast %slice3A_68 : vector<1x768xf32> to vector<1x768xf32>
    %broadcast_in_dim3A_70 = vector.broadcast %broadcast_in_dim3A_69 : vector<1x768xf32> to vector<6x768xf32>
    %concatenate3A_71 = tpu.concatenate %sub3A_59, %broadcast_in_dim3A_70 in 0 : vector<50x768xf32>, vector<6x768xf32> -> vector<56x768xf32>
    %slice3A_72 = vector.extract_strided_slice %sub3A_67 {offsets = [0, 0], sizes = [1, 1], strides = [1, 1]} : vector<50x1xf32> to vector<1x1xf32>
    %broadcast_in_dim3A_73 = vector.shape_cast %slice3A_72 : vector<1x1xf32> to vector<1x1xf32>
    %broadcast_in_dim3A_74 = vector.broadcast %broadcast_in_dim3A_73 : vector<1x1xf32> to vector<6x1xf32>
    %concatenate3A_75 = tpu.concatenate %sub3A_67, %broadcast_in_dim3A_74 in 0 : vector<50x1xf32>, vector<6x1xf32> -> vector<56x1xf32>
    %slice3A_76 = vector.extract_strided_slice %add3A_11 {offsets = [0, 128], sizes = [50, 64], strides = [1, 1]} : vector<50x768xf32> to vector<50x64xf32>
    %get3A_77 = arith.constant 128 : index
    %get3A_78 = arith.constant 0 : index
    %get3A_79 = vector.load %arg2[%get3A_77, %get3A_78] : memref<768x768xf32, #tpu.memory_space<vmem>>, vector<64x768xf32>
    %dot_general3A_80 = arith.constant dense<0.000000e+00> : vector<50x768xf32>
    %dot_general3A_81 = tpu.matmul %slice3A_76, %get3A_79, %dot_general3A_80 {dimension_numbers = #tpu.dot_dimension_numbers<[1], [0], [0], [1], [0, 0, 1, 1], [], []>, precision = #tpu.contract_precision<fp32>, transpose_lhs_hint = false} : vector<50x64xf32>, vector<64x768xf32>, vector<50x768xf32> -> vector<50x768xf32>
    %get3A_82 = arith.constant 0 : index
    %get3A_83 = arith.constant 128 : index
    %get3A_84 = vector.load %arg4[%get3A_82, %get3A_83] : memref<1x768xf32, #tpu.memory_space<vmem>>, vector<1x64xf32>
    %dot_general3A_85 = arith.constant dense<0.000000e+00> : vector<50x1xf32>
    %dot_general3A_86 = tpu.matmul %slice3A_76, %get3A_84, %dot_general3A_85 {dimension_numbers = #tpu.dot_dimension_numbers<[1], [1], [0], [0], [0, 0, 1, 0], [], []>, precision = #tpu.contract_precision<fp32>, transpose_lhs_hint = false} : vector<50x64xf32>, vector<1x64xf32>, vector<50x1xf32> -> vector<50x1xf32>
    %reduce_sum3A_87 = arith.constant dense<0.000000e+00> : vector<768xf32>
    %reduce_sum3A_88 = vector.multi_reduction <add>, %dot_general3A_81, %reduce_sum3A_87 [0] : vector<50x768xf32> to vector<768xf32>
    %broadcast_in_dim3A_89 = vector.shape_cast %reduce_sum3A_88 : vector<768xf32> to vector<1x768xf32>
    %div3A_90 = arith.constant 5.000000e+01 : f32
    %div3A_91 = vector.broadcast %div3A_90 : f32 to vector<1x768xf32>
    %div3A_92 = arith.divf %broadcast_in_dim3A_89, %div3A_91 : vector<1x768xf32>
    %sub3A_93 = vector.broadcast %div3A_92 : vector<1x768xf32> to vector<50x768xf32>
    %sub3A_94 = arith.subf %dot_general3A_81, %sub3A_93 : vector<50x768xf32>
    %reduce_sum3A_95 = arith.constant dense<0.000000e+00> : vector<1xf32>
    %reduce_sum3A_96 = vector.multi_reduction <add>, %dot_general3A_86, %reduce_sum3A_95 [0] : vector<50x1xf32> to vector<1xf32>
    %broadcast_in_dim3A_97 = vector.shape_cast %reduce_sum3A_96 : vector<1xf32> to vector<1x1xf32>
    %div3A_98 = arith.constant 5.000000e+01 : f32
    %div3A_99 = vector.broadcast %div3A_98 : f32 to vector<1x1xf32>
    %div3A_100 = arith.divf %broadcast_in_dim3A_97, %div3A_99 : vector<1x1xf32>
    %sub3A_101 = vector.broadcast %div3A_100 : vector<1x1xf32> to vector<50x1xf32>
    %sub3A_102 = arith.subf %dot_general3A_86, %sub3A_101 : vector<50x1xf32>
    %slice3A_103 = vector.extract_strided_slice %sub3A_94 {offsets = [0, 0], sizes = [1, 768], strides = [1, 1]} : vector<50x768xf32> to vector<1x768xf32>
    %broadcast_in_dim3A_104 = vector.shape_cast %slice3A_103 : vector<1x768xf32> to vector<1x768xf32>
    %broadcast_in_dim3A_105 = vector.broadcast %broadcast_in_dim3A_104 : vector<1x768xf32> to vector<6x768xf32>
    %concatenate3A_106 = tpu.concatenate %sub3A_94, %broadcast_in_dim3A_105 in 0 : vector<50x768xf32>, vector<6x768xf32> -> vector<56x768xf32>
    %slice3A_107 = vector.extract_strided_slice %sub3A_102 {offsets = [0, 0], sizes = [1, 1], strides = [1, 1]} : vector<50x1xf32> to vector<1x1xf32>
    %broadcast_in_dim3A_108 = vector.shape_cast %slice3A_107 : vector<1x1xf32> to vector<1x1xf32>
    %broadcast_in_dim3A_109 = vector.broadcast %broadcast_in_dim3A_108 : vector<1x1xf32> to vector<6x1xf32>
    %concatenate3A_110 = tpu.concatenate %sub3A_102, %broadcast_in_dim3A_109 in 0 : vector<50x1xf32>, vector<6x1xf32> -> vector<56x1xf32>
    %slice3A_111 = vector.extract_strided_slice %add3A_11 {offsets = [0, 192], sizes = [50, 64], strides = [1, 1]} : vector<50x768xf32> to vector<50x64xf32>
    %get3A_112 = arith.constant 192 : index
    %get3A_113 = arith.constant 0 : index
    %get3A_114 = vector.load %arg2[%get3A_112, %get3A_113] : memref<768x768xf32, #tpu.memory_space<vmem>>, vector<64x768xf32>
    %dot_general3A_115 = arith.constant dense<0.000000e+00> : vector<50x768xf32>
    %dot_general3A_116 = tpu.matmul %slice3A_111, %get3A_114, %dot_general3A_115 {dimension_numbers = #tpu.dot_dimension_numbers<[1], [0], [0], [1], [0, 0, 1, 1], [], []>, precision = #tpu.contract_precision<fp32>, transpose_lhs_hint = false} : vector<50x64xf32>, vector<64x768xf32>, vector<50x768xf32> -> vector<50x768xf32>
    %get3A_117 = arith.constant 0 : index
    %get3A_118 = arith.constant 192 : index
    %get3A_119 = vector.load %arg4[%get3A_117, %get3A_118] : memref<1x768xf32, #tpu.memory_space<vmem>>, vector<1x64xf32>
    %dot_general3A_120 = arith.constant dense<0.000000e+00> : vector<50x1xf32>
    %dot_general3A_121 = tpu.matmul %slice3A_111, %get3A_119, %dot_general3A_120 {dimension_numbers = #tpu.dot_dimension_numbers<[1], [1], [0], [0], [0, 0, 1, 0], [], []>, precision = #tpu.contract_precision<fp32>, transpose_lhs_hint = false} : vector<50x64xf32>, vector<1x64xf32>, vector<50x1xf32> -> vector<50x1xf32>
    %reduce_sum3A_122 = arith.constant dense<0.000000e+00> : vector<768xf32>
    %reduce_sum3A_123 = vector.multi_reduction <add>, %dot_general3A_116, %reduce_sum3A_122 [0] : vector<50x768xf32> to vector<768xf32>
    %broadcast_in_dim3A_124 = vector.shape_cast %reduce_sum3A_123 : vector<768xf32> to vector<1x768xf32>
    %div3A_125 = arith.constant 5.000000e+01 : f32
    %div3A_126 = vector.broadcast %div3A_125 : f32 to vector<1x768xf32>
    %div3A_127 = arith.divf %broadcast_in_dim3A_124, %div3A_126 : vector<1x768xf32>
    %sub3A_128 = vector.broadcast %div3A_127 : vector<1x768xf32> to vector<50x768xf32>
    %sub3A_129 = arith.subf %dot_general3A_116, %sub3A_128 : vector<50x768xf32>
    %reduce_sum3A_130 = arith.constant dense<0.000000e+00> : vector<1xf32>
    %reduce_sum3A_131 = vector.multi_reduction <add>, %dot_general3A_121, %reduce_sum3A_130 [0] : vector<50x1xf32> to vector<1xf32>
    %broadcast_in_dim3A_132 = vector.shape_cast %reduce_sum3A_131 : vector<1xf32> to vector<1x1xf32>
    %div3A_133 = arith.constant 5.000000e+01 : f32
    %div3A_134 = vector.broadcast %div3A_133 : f32 to vector<1x1xf32>
    %div3A_135 = arith.divf %broadcast_in_dim3A_132, %div3A_134 : vector<1x1xf32>
    %sub3A_136 = vector.broadcast %div3A_135 : vector<1x1xf32> to vector<50x1xf32>
    %sub3A_137 = arith.subf %dot_general3A_121, %sub3A_136 : vector<50x1xf32>
    %slice3A_138 = vector.extract_strided_slice %sub3A_129 {offsets = [0, 0], sizes = [1, 768], strides = [1, 1]} : vector<50x768xf32> to vector<1x768xf32>
    %broadcast_in_dim3A_139 = vector.shape_cast %slice3A_138 : vector<1x768xf32> to vector<1x768xf32>
    %broadcast_in_dim3A_140 = vector.broadcast %broadcast_in_dim3A_139 : vector<1x768xf32> to vector<6x768xf32>
    %concatenate3A_141 = tpu.concatenate %sub3A_129, %broadcast_in_dim3A_140 in 0 : vector<50x768xf32>, vector<6x768xf32> -> vector<56x768xf32>
    %slice3A_142 = vector.extract_strided_slice %sub3A_137 {offsets = [0, 0], sizes = [1, 1], strides = [1, 1]} : vector<50x1xf32> to vector<1x1xf32>
    %broadcast_in_dim3A_143 = vector.shape_cast %slice3A_142 : vector<1x1xf32> to vector<1x1xf32>
    %broadcast_in_dim3A_144 = vector.broadcast %broadcast_in_dim3A_143 : vector<1x1xf32> to vector<6x1xf32>
    %concatenate3A_145 = tpu.concatenate %sub3A_137, %broadcast_in_dim3A_144 in 0 : vector<50x1xf32>, vector<6x1xf32> -> vector<56x1xf32>
    %slice3A_146 = vector.extract_strided_slice %add3A_11 {offsets = [0, 256], sizes = [50, 64], strides = [1, 1]} : vector<50x768xf32> to vector<50x64xf32>
    %get3A_147 = arith.constant 256 : index
    %get3A_148 = arith.constant 0 : index
    %get3A_149 = vector.load %arg2[%get3A_147, %get3A_148] : memref<768x768xf32, #tpu.memory_space<vmem>>, vector<64x768xf32>
    %dot_general3A_150 = arith.constant dense<0.000000e+00> : vector<50x768xf32>
    %dot_general3A_151 = tpu.matmul %slice3A_146, %get3A_149, %dot_general3A_150 {dimension_numbers = #tpu.dot_dimension_numbers<[1], [0], [0], [1], [0, 0, 1, 1], [], []>, precision = #tpu.contract_precision<fp32>, transpose_lhs_hint = false} : vector<50x64xf32>, vector<64x768xf32>, vector<50x768xf32> -> vector<50x768xf32>
    %get3A_152 = arith.constant 0 : index
    %get3A_153 = arith.constant 256 : index
    %get3A_154 = vector.load %arg4[%get3A_152, %get3A_153] : memref<1x768xf32, #tpu.memory_space<vmem>>, vector<1x64xf32>
    %dot_general3A_155 = arith.constant dense<0.000000e+00> : vector<50x1xf32>
    %dot_general3A_156 = tpu.matmul %slice3A_146, %get3A_154, %dot_general3A_155 {dimension_numbers = #tpu.dot_dimension_numbers<[1], [1], [0], [0], [0, 0, 1, 0], [], []>, precision = #tpu.contract_precision<fp32>, transpose_lhs_hint = false} : vector<50x64xf32>, vector<1x64xf32>, vector<50x1xf32> -> vector<50x1xf32>
    %reduce_sum3A_157 = arith.constant dense<0.000000e+00> : vector<768xf32>
    %reduce_sum3A_158 = vector.multi_reduction <add>, %dot_general3A_151, %reduce_sum3A_157 [0] : vector<50x768xf32> to vector<768xf32>
    %broadcast_in_dim3A_159 = vector.shape_cast %reduce_sum3A_158 : vector<768xf32> to vector<1x768xf32>
    %div3A_160 = arith.constant 5.000000e+01 : f32
    %div3A_161 = vector.broadcast %div3A_160 : f32 to vector<1x768xf32>
    %div3A_162 = arith.divf %broadcast_in_dim3A_159, %div3A_161 : vector<1x768xf32>
    %sub3A_163 = vector.broadcast %div3A_162 : vector<1x768xf32> to vector<50x768xf32>
    %sub3A_164 = arith.subf %dot_general3A_151, %sub3A_163 : vector<50x768xf32>
    %reduce_sum3A_165 = arith.constant dense<0.000000e+00> : vector<1xf32>
    %reduce_sum3A_166 = vector.multi_reduction <add>, %dot_general3A_156, %reduce_sum3A_165 [0] : vector<50x1xf32> to vector<1xf32>
    %broadcast_in_dim3A_167 = vector.shape_cast %reduce_sum3A_166 : vector<1xf32> to vector<1x1xf32>
    %div3A_168 = arith.constant 5.000000e+01 : f32
    %div3A_169 = vector.broadcast %div3A_168 : f32 to vector<1x1xf32>
    %div3A_170 = arith.divf %broadcast_in_dim3A_167, %div3A_169 : vector<1x1xf32>
    %sub3A_171 = vector.broadcast %div3A_170 : vector<1x1xf32> to vector<50x1xf32>
    %sub3A_172 = arith.subf %dot_general3A_156, %sub3A_171 : vector<50x1xf32>
    %slice3A_173 = vector.extract_strided_slice %sub3A_164 {offsets = [0, 0], sizes = [1, 768], strides = [1, 1]} : vector<50x768xf32> to vector<1x768xf32>
    %broadcast_in_dim3A_174 = vector.shape_cast %slice3A_173 : vector<1x768xf32> to vector<1x768xf32>
    %broadcast_in_dim3A_175 = vector.broadcast %broadcast_in_dim3A_174 : vector<1x768xf32> to vector<6x768xf32>
    %concatenate3A_176 = tpu.concatenate %sub3A_164, %broadcast_in_dim3A_175 in 0 : vector<50x768xf32>, vector<6x768xf32> -> vector<56x768xf32>
    %slice3A_177 = vector.extract_strided_slice %sub3A_172 {offsets = [0, 0], sizes = [1, 1], strides = [1, 1]} : vector<50x1xf32> to vector<1x1xf32>
    %broadcast_in_dim3A_178 = vector.shape_cast %slice3A_177 : vector<1x1xf32> to vector<1x1xf32>
    %broadcast_in_dim3A_179 = vector.broadcast %broadcast_in_dim3A_178 : vector<1x1xf32> to vector<6x1xf32>
    %concatenate3A_180 = tpu.concatenate %sub3A_172, %broadcast_in_dim3A_179 in 0 : vector<50x1xf32>, vector<6x1xf32> -> vector<56x1xf32>
    %slice3A_181 = vector.extract_strided_slice %add3A_11 {offsets = [0, 320], sizes = [50, 64], strides = [1, 1]} : vector<50x768xf32> to vector<50x64xf32>
    %get3A_182 = arith.constant 320 : index
    %get3A_183 = arith.constant 0 : index
    %get3A_184 = vector.load %arg2[%get3A_182, %get3A_183] : memref<768x768xf32, #tpu.memory_space<vmem>>, vector<64x768xf32>
    %dot_general3A_185 = arith.constant dense<0.000000e+00> : vector<50x768xf32>
    %dot_general3A_186 = tpu.matmul %slice3A_181, %get3A_184, %dot_general3A_185 {dimension_numbers = #tpu.dot_dimension_numbers<[1], [0], [0], [1], [0, 0, 1, 1], [], []>, precision = #tpu.contract_precision<fp32>, transpose_lhs_hint = false} : vector<50x64xf32>, vector<64x768xf32>, vector<50x768xf32> -> vector<50x768xf32>
    %get3A_187 = arith.constant 0 : index
    %get3A_188 = arith.constant 320 : index
    %get3A_189 = vector.load %arg4[%get3A_187, %get3A_188] : memref<1x768xf32, #tpu.memory_space<vmem>>, vector<1x64xf32>
    %dot_general3A_190 = arith.constant dense<0.000000e+00> : vector<50x1xf32>
    %dot_general3A_191 = tpu.matmul %slice3A_181, %get3A_189, %dot_general3A_190 {dimension_numbers = #tpu.dot_dimension_numbers<[1], [1], [0], [0], [0, 0, 1, 0], [], []>, precision = #tpu.contract_precision<fp32>, transpose_lhs_hint = false} : vector<50x64xf32>, vector<1x64xf32>, vector<50x1xf32> -> vector<50x1xf32>
    %reduce_sum3A_192 = arith.constant dense<0.000000e+00> : vector<768xf32>
    %reduce_sum3A_193 = vector.multi_reduction <add>, %dot_general3A_186, %reduce_sum3A_192 [0] : vector<50x768xf32> to vector<768xf32>
    %broadcast_in_dim3A_194 = vector.shape_cast %reduce_sum3A_193 : vector<768xf32> to vector<1x768xf32>
    %div3A_195 = arith.constant 5.000000e+01 : f32
    %div3A_196 = vector.broadcast %div3A_195 : f32 to vector<1x768xf32>
    %div3A_197 = arith.divf %broadcast_in_dim3A_194, %div3A_196 : vector<1x768xf32>
    %sub3A_198 = vector.broadcast %div3A_197 : vector<1x768xf32> to vector<50x768xf32>
    %sub3A_199 = arith.subf %dot_general3A_186, %sub3A_198 : vector<50x768xf32>
    %reduce_sum3A_200 = arith.constant dense<0.000000e+00> : vector<1xf32>
    %reduce_sum3A_201 = vector.multi_reduction <add>, %dot_general3A_191, %reduce_sum3A_200 [0] : vector<50x1xf32> to vector<1xf32>
    %broadcast_in_dim3A_202 = vector.shape_cast %reduce_sum3A_201 : vector<1xf32> to vector<1x1xf32>
    %div3A_203 = arith.constant 5.000000e+01 : f32
    %div3A_204 = vector.broadcast %div3A_203 : f32 to vector<1x1xf32>
    %div3A_205 = arith.divf %broadcast_in_dim3A_202, %div3A_204 : vector<1x1xf32>
    %sub3A_206 = vector.broadcast %div3A_205 : vector<1x1xf32> to vector<50x1xf32>
    %sub3A_207 = arith.subf %dot_general3A_191, %sub3A_206 : vector<50x1xf32>
    %slice3A_208 = vector.extract_strided_slice %sub3A_199 {offsets = [0, 0], sizes = [1, 768], strides = [1, 1]} : vector<50x768xf32> to vector<1x768xf32>
    %broadcast_in_dim3A_209 = vector.shape_cast %slice3A_208 : vector<1x768xf32> to vector<1x768xf32>
    %broadcast_in_dim3A_210 = vector.broadcast %broadcast_in_dim3A_209 : vector<1x768xf32> to vector<6x768xf32>
    %concatenate3A_211 = tpu.concatenate %sub3A_199, %broadcast_in_dim3A_210 in 0 : vector<50x768xf32>, vector<6x768xf32> -> vector<56x768xf32>
    %slice3A_212 = vector.extract_strided_slice %sub3A_207 {offsets = [0, 0], sizes = [1, 1], strides = [1, 1]} : vector<50x1xf32> to vector<1x1xf32>
    %broadcast_in_dim3A_213 = vector.shape_cast %slice3A_212 : vector<1x1xf32> to vector<1x1xf32>
    %broadcast_in_dim3A_214 = vector.broadcast %broadcast_in_dim3A_213 : vector<1x1xf32> to vector<6x1xf32>
    %concatenate3A_215 = tpu.concatenate %sub3A_207, %broadcast_in_dim3A_214 in 0 : vector<50x1xf32>, vector<6x1xf32> -> vector<56x1xf32>
    %slice3A_216 = vector.extract_strided_slice %add3A_11 {offsets = [0, 384], sizes = [50, 64], strides = [1, 1]} : vector<50x768xf32> to vector<50x64xf32>
    %get3A_217 = arith.constant 384 : index
    %get3A_218 = arith.constant 0 : index
    %get3A_219 = vector.load %arg2[%get3A_217, %get3A_218] : memref<768x768xf32, #tpu.memory_space<vmem>>, vector<64x768xf32>
    %dot_general3A_220 = arith.constant dense<0.000000e+00> : vector<50x768xf32>
    %dot_general3A_221 = tpu.matmul %slice3A_216, %get3A_219, %dot_general3A_220 {dimension_numbers = #tpu.dot_dimension_numbers<[1], [0], [0], [1], [0, 0, 1, 1], [], []>, precision = #tpu.contract_precision<fp32>, transpose_lhs_hint = false} : vector<50x64xf32>, vector<64x768xf32>, vector<50x768xf32> -> vector<50x768xf32>
    %get3A_222 = arith.constant 0 : index
    %get3A_223 = arith.constant 384 : index
    %get3A_224 = vector.load %arg4[%get3A_222, %get3A_223] : memref<1x768xf32, #tpu.memory_space<vmem>>, vector<1x64xf32>
    %dot_general3A_225 = arith.constant dense<0.000000e+00> : vector<50x1xf32>
    %dot_general3A_226 = tpu.matmul %slice3A_216, %get3A_224, %dot_general3A_225 {dimension_numbers = #tpu.dot_dimension_numbers<[1], [1], [0], [0], [0, 0, 1, 0], [], []>, precision = #tpu.contract_precision<fp32>, transpose_lhs_hint = false} : vector<50x64xf32>, vector<1x64xf32>, vector<50x1xf32> -> vector<50x1xf32>
    %reduce_sum3A_227 = arith.constant dense<0.000000e+00> : vector<768xf32>
    %reduce_sum3A_228 = vector.multi_reduction <add>, %dot_general3A_221, %reduce_sum3A_227 [0] : vector<50x768xf32> to vector<768xf32>
    %broadcast_in_dim3A_229 = vector.shape_cast %reduce_sum3A_228 : vector<768xf32> to vector<1x768xf32>
    %div3A_230 = arith.constant 5.000000e+01 : f32
    %div3A_231 = vector.broadcast %div3A_230 : f32 to vector<1x768xf32>
    %div3A_232 = arith.divf %broadcast_in_dim3A_229, %div3A_231 : vector<1x768xf32>
    %sub3A_233 = vector.broadcast %div3A_232 : vector<1x768xf32> to vector<50x768xf32>
    %sub3A_234 = arith.subf %dot_general3A_221, %sub3A_233 : vector<50x768xf32>
    %reduce_sum3A_235 = arith.constant dense<0.000000e+00> : vector<1xf32>
    %reduce_sum3A_236 = vector.multi_reduction <add>, %dot_general3A_226, %reduce_sum3A_235 [0] : vector<50x1xf32> to vector<1xf32>
    %broadcast_in_dim3A_237 = vector.shape_cast %reduce_sum3A_236 : vector<1xf32> to vector<1x1xf32>
    %div3A_238 = arith.constant 5.000000e+01 : f32
    %div3A_239 = vector.broadcast %div3A_238 : f32 to vector<1x1xf32>
    %div3A_240 = arith.divf %broadcast_in_dim3A_237, %div3A_239 : vector<1x1xf32>
    %sub3A_241 = vector.broadcast %div3A_240 : vector<1x1xf32> to vector<50x1xf32>
    %sub3A_242 = arith.subf %dot_general3A_226, %sub3A_241 : vector<50x1xf32>
    %slice3A_243 = vector.extract_strided_slice %sub3A_234 {offsets = [0, 0], sizes = [1, 768], strides = [1, 1]} : vector<50x768xf32> to vector<1x768xf32>
    %broadcast_in_dim3A_244 = vector.shape_cast %slice3A_243 : vector<1x768xf32> to vector<1x768xf32>
    %broadcast_in_dim3A_245 = vector.broadcast %broadcast_in_dim3A_244 : vector<1x768xf32> to vector<6x768xf32>
    %concatenate3A_246 = tpu.concatenate %sub3A_234, %broadcast_in_dim3A_245 in 0 : vector<50x768xf32>, vector<6x768xf32> -> vector<56x768xf32>
    %slice3A_247 = vector.extract_strided_slice %sub3A_242 {offsets = [0, 0], sizes = [1, 1], strides = [1, 1]} : vector<50x1xf32> to vector<1x1xf32>
    %broadcast_in_dim3A_248 = vector.shape_cast %slice3A_247 : vector<1x1xf32> to vector<1x1xf32>
    %broadcast_in_dim3A_249 = vector.broadcast %broadcast_in_dim3A_248 : vector<1x1xf32> to vector<6x1xf32>
    %concatenate3A_250 = tpu.concatenate %sub3A_242, %broadcast_in_dim3A_249 in 0 : vector<50x1xf32>, vector<6x1xf32> -> vector<56x1xf32>
    %slice3A_251 = vector.extract_strided_slice %add3A_11 {offsets = [0, 448], sizes = [50, 64], strides = [1, 1]} : vector<50x768xf32> to vector<50x64xf32>
    %get3A_252 = arith.constant 448 : index
    %get3A_253 = arith.constant 0 : index
    %get3A_254 = vector.load %arg2[%get3A_252, %get3A_253] : memref<768x768xf32, #tpu.memory_space<vmem>>, vector<64x768xf32>
    %dot_general3A_255 = arith.constant dense<0.000000e+00> : vector<50x768xf32>
    %dot_general3A_256 = tpu.matmul %slice3A_251, %get3A_254, %dot_general3A_255 {dimension_numbers = #tpu.dot_dimension_numbers<[1], [0], [0], [1], [0, 0, 1, 1], [], []>, precision = #tpu.contract_precision<fp32>, transpose_lhs_hint = false} : vector<50x64xf32>, vector<64x768xf32>, vector<50x768xf32> -> vector<50x768xf32>
    %get3A_257 = arith.constant 0 : index
    %get3A_258 = arith.constant 448 : index
    %get3A_259 = vector.load %arg4[%get3A_257, %get3A_258] : memref<1x768xf32, #tpu.memory_space<vmem>>, vector<1x64xf32>
    %dot_general3A_260 = arith.constant dense<0.000000e+00> : vector<50x1xf32>
    %dot_general3A_261 = tpu.matmul %slice3A_251, %get3A_259, %dot_general3A_260 {dimension_numbers = #tpu.dot_dimension_numbers<[1], [1], [0], [0], [0, 0, 1, 0], [], []>, precision = #tpu.contract_precision<fp32>, transpose_lhs_hint = false} : vector<50x64xf32>, vector<1x64xf32>, vector<50x1xf32> -> vector<50x1xf32>
    %reduce_sum3A_262 = arith.constant dense<0.000000e+00> : vector<768xf32>
    %reduce_sum3A_263 = vector.multi_reduction <add>, %dot_general3A_256, %reduce_sum3A_262 [0] : vector<50x768xf32> to vector<768xf32>
    %broadcast_in_dim3A_264 = vector.shape_cast %reduce_sum3A_263 : vector<768xf32> to vector<1x768xf32>
    %div3A_265 = arith.constant 5.000000e+01 : f32
    %div3A_266 = vector.broadcast %div3A_265 : f32 to vector<1x768xf32>
    %div3A_267 = arith.divf %broadcast_in_dim3A_264, %div3A_266 : vector<1x768xf32>
    %sub3A_268 = vector.broadcast %div3A_267 : vector<1x768xf32> to vector<50x768xf32>
    %sub3A_269 = arith.subf %dot_general3A_256, %sub3A_268 : vector<50x768xf32>
    %reduce_sum3A_270 = arith.constant dense<0.000000e+00> : vector<1xf32>
    %reduce_sum3A_271 = vector.multi_reduction <add>, %dot_general3A_261, %reduce_sum3A_270 [0] : vector<50x1xf32> to vector<1xf32>
    %broadcast_in_dim3A_272 = vector.shape_cast %reduce_sum3A_271 : vector<1xf32> to vector<1x1xf32>
    %div3A_273 = arith.constant 5.000000e+01 : f32
    %div3A_274 = vector.broadcast %div3A_273 : f32 to vector<1x1xf32>
    %div3A_275 = arith.divf %broadcast_in_dim3A_272, %div3A_274 : vector<1x1xf32>
    %sub3A_276 = vector.broadcast %div3A_275 : vector<1x1xf32> to vector<50x1xf32>
    %sub3A_277 = arith.subf %dot_general3A_261, %sub3A_276 : vector<50x1xf32>
    %slice3A_278 = vector.extract_strided_slice %sub3A_269 {offsets = [0, 0], sizes = [1, 768], strides = [1, 1]} : vector<50x768xf32> to vector<1x768xf32>
    %broadcast_in_dim3A_279 = vector.shape_cast %slice3A_278 : vector<1x768xf32> to vector<1x768xf32>
    %broadcast_in_dim3A_280 = vector.broadcast %broadcast_in_dim3A_279 : vector<1x768xf32> to vector<6x768xf32>
    %concatenate3A_281 = tpu.concatenate %sub3A_269, %broadcast_in_dim3A_280 in 0 : vector<50x768xf32>, vector<6x768xf32> -> vector<56x768xf32>
    %slice3A_282 = vector.extract_strided_slice %sub3A_277 {offsets = [0, 0], sizes = [1, 1], strides = [1, 1]} : vector<50x1xf32> to vector<1x1xf32>
    %broadcast_in_dim3A_283 = vector.shape_cast %slice3A_282 : vector<1x1xf32> to vector<1x1xf32>
    %broadcast_in_dim3A_284 = vector.broadcast %broadcast_in_dim3A_283 : vector<1x1xf32> to vector<6x1xf32>
    %concatenate3A_285 = tpu.concatenate %sub3A_277, %broadcast_in_dim3A_284 in 0 : vector<50x1xf32>, vector<6x1xf32> -> vector<56x1xf32>
    %slice3A_286 = vector.extract_strided_slice %add3A_11 {offsets = [0, 512], sizes = [50, 64], strides = [1, 1]} : vector<50x768xf32> to vector<50x64xf32>
    %get3A_287 = arith.constant 512 : index
    %get3A_288 = arith.constant 0 : index
    %get3A_289 = vector.load %arg2[%get3A_287, %get3A_288] : memref<768x768xf32, #tpu.memory_space<vmem>>, vector<64x768xf32>
    %dot_general3A_290 = arith.constant dense<0.000000e+00> : vector<50x768xf32>
    %dot_general3A_291 = tpu.matmul %slice3A_286, %get3A_289, %dot_general3A_290 {dimension_numbers = #tpu.dot_dimension_numbers<[1], [0], [0], [1], [0, 0, 1, 1], [], []>, precision = #tpu.contract_precision<fp32>, transpose_lhs_hint = false} : vector<50x64xf32>, vector<64x768xf32>, vector<50x768xf32> -> vector<50x768xf32>
    %get3A_292 = arith.constant 0 : index
    %get3A_293 = arith.constant 512 : index
    %get3A_294 = vector.load %arg4[%get3A_292, %get3A_293] : memref<1x768xf32, #tpu.memory_space<vmem>>, vector<1x64xf32>
    %dot_general3A_295 = arith.constant dense<0.000000e+00> : vector<50x1xf32>
    %dot_general3A_296 = tpu.matmul %slice3A_286, %get3A_294, %dot_general3A_295 {dimension_numbers = #tpu.dot_dimension_numbers<[1], [1], [0], [0], [0, 0, 1, 0], [], []>, precision = #tpu.contract_precision<fp32>, transpose_lhs_hint = false} : vector<50x64xf32>, vector<1x64xf32>, vector<50x1xf32> -> vector<50x1xf32>
    %reduce_sum3A_297 = arith.constant dense<0.000000e+00> : vector<768xf32>
    %reduce_sum3A_298 = vector.multi_reduction <add>, %dot_general3A_291, %reduce_sum3A_297 [0] : vector<50x768xf32> to vector<768xf32>
    %broadcast_in_dim3A_299 = vector.shape_cast %reduce_sum3A_298 : vector<768xf32> to vector<1x768xf32>
    %div3A_300 = arith.constant 5.000000e+01 : f32
    %div3A_301 = vector.broadcast %div3A_300 : f32 to vector<1x768xf32>
    %div3A_302 = arith.divf %broadcast_in_dim3A_299, %div3A_301 : vector<1x768xf32>
    %sub3A_303 = vector.broadcast %div3A_302 : vector<1x768xf32> to vector<50x768xf32>
    %sub3A_304 = arith.subf %dot_general3A_291, %sub3A_303 : vector<50x768xf32>
    %reduce_sum3A_305 = arith.constant dense<0.000000e+00> : vector<1xf32>
    %reduce_sum3A_306 = vector.multi_reduction <add>, %dot_general3A_296, %reduce_sum3A_305 [0] : vector<50x1xf32> to vector<1xf32>
    %broadcast_in_dim3A_307 = vector.shape_cast %reduce_sum3A_306 : vector<1xf32> to vector<1x1xf32>
    %div3A_308 = arith.constant 5.000000e+01 : f32
    %div3A_309 = vector.broadcast %div3A_308 : f32 to vector<1x1xf32>
    %div3A_310 = arith.divf %broadcast_in_dim3A_307, %div3A_309 : vector<1x1xf32>
    %sub3A_311 = vector.broadcast %div3A_310 : vector<1x1xf32> to vector<50x1xf32>
    %sub3A_312 = arith.subf %dot_general3A_296, %sub3A_311 : vector<50x1xf32>
    %slice3A_313 = vector.extract_strided_slice %sub3A_304 {offsets = [0, 0], sizes = [1, 768], strides = [1, 1]} : vector<50x768xf32> to vector<1x768xf32>
    %broadcast_in_dim3A_314 = vector.shape_cast %slice3A_313 : vector<1x768xf32> to vector<1x768xf32>
    %broadcast_in_dim3A_315 = vector.broadcast %broadcast_in_dim3A_314 : vector<1x768xf32> to vector<6x768xf32>
    %concatenate3A_316 = tpu.concatenate %sub3A_304, %broadcast_in_dim3A_315 in 0 : vector<50x768xf32>, vector<6x768xf32> -> vector<56x768xf32>
    %slice3A_317 = vector.extract_strided_slice %sub3A_312 {offsets = [0, 0], sizes = [1, 1], strides = [1, 1]} : vector<50x1xf32> to vector<1x1xf32>
    %broadcast_in_dim3A_318 = vector.shape_cast %slice3A_317 : vector<1x1xf32> to vector<1x1xf32>
    %broadcast_in_dim3A_319 = vector.broadcast %broadcast_in_dim3A_318 : vector<1x1xf32> to vector<6x1xf32>
    %concatenate3A_320 = tpu.concatenate %sub3A_312, %broadcast_in_dim3A_319 in 0 : vector<50x1xf32>, vector<6x1xf32> -> vector<56x1xf32>
    %slice3A_321 = vector.extract_strided_slice %add3A_11 {offsets = [0, 576], sizes = [50, 64], strides = [1, 1]} : vector<50x768xf32> to vector<50x64xf32>
    %get3A_322 = arith.constant 576 : index
    %get3A_323 = arith.constant 0 : index
    %get3A_324 = vector.load %arg2[%get3A_322, %get3A_323] : memref<768x768xf32, #tpu.memory_space<vmem>>, vector<64x768xf32>
    %dot_general3A_325 = arith.constant dense<0.000000e+00> : vector<50x768xf32>
    %dot_general3A_326 = tpu.matmul %slice3A_321, %get3A_324, %dot_general3A_325 {dimension_numbers = #tpu.dot_dimension_numbers<[1], [0], [0], [1], [0, 0, 1, 1], [], []>, precision = #tpu.contract_precision<fp32>, transpose_lhs_hint = false} : vector<50x64xf32>, vector<64x768xf32>, vector<50x768xf32> -> vector<50x768xf32>
    %get3A_327 = arith.constant 0 : index
    %get3A_328 = arith.constant 576 : index
    %get3A_329 = vector.load %arg4[%get3A_327, %get3A_328] : memref<1x768xf32, #tpu.memory_space<vmem>>, vector<1x64xf32>
    %dot_general3A_330 = arith.constant dense<0.000000e+00> : vector<50x1xf32>
    %dot_general3A_331 = tpu.matmul %slice3A_321, %get3A_329, %dot_general3A_330 {dimension_numbers = #tpu.dot_dimension_numbers<[1], [1], [0], [0], [0, 0, 1, 0], [], []>, precision = #tpu.contract_precision<fp32>, transpose_lhs_hint = false} : vector<50x64xf32>, vector<1x64xf32>, vector<50x1xf32> -> vector<50x1xf32>
    %reduce_sum3A_332 = arith.constant dense<0.000000e+00> : vector<768xf32>
    %reduce_sum3A_333 = vector.multi_reduction <add>, %dot_general3A_326, %reduce_sum3A_332 [0] : vector<50x768xf32> to vector<768xf32>
    %broadcast_in_dim3A_334 = vector.shape_cast %reduce_sum3A_333 : vector<768xf32> to vector<1x768xf32>
    %div3A_335 = arith.constant 5.000000e+01 : f32
    %div3A_336 = vector.broadcast %div3A_335 : f32 to vector<1x768xf32>
    %div3A_337 = arith.divf %broadcast_in_dim3A_334, %div3A_336 : vector<1x768xf32>
    %sub3A_338 = vector.broadcast %div3A_337 : vector<1x768xf32> to vector<50x768xf32>
    %sub3A_339 = arith.subf %dot_general3A_326, %sub3A_338 : vector<50x768xf32>
    %reduce_sum3A_340 = arith.constant dense<0.000000e+00> : vector<1xf32>
    %reduce_sum3A_341 = vector.multi_reduction <add>, %dot_general3A_331, %reduce_sum3A_340 [0] : vector<50x1xf32> to vector<1xf32>
    %broadcast_in_dim3A_342 = vector.shape_cast %reduce_sum3A_341 : vector<1xf32> to vector<1x1xf32>
    %div3A_343 = arith.constant 5.000000e+01 : f32
    %div3A_344 = vector.broadcast %div3A_343 : f32 to vector<1x1xf32>
    %div3A_345 = arith.divf %broadcast_in_dim3A_342, %div3A_344 : vector<1x1xf32>
    %sub3A_346 = vector.broadcast %div3A_345 : vector<1x1xf32> to vector<50x1xf32>
    %sub3A_347 = arith.subf %dot_general3A_331, %sub3A_346 : vector<50x1xf32>
    %slice3A_348 = vector.extract_strided_slice %sub3A_339 {offsets = [0, 0], sizes = [1, 768], strides = [1, 1]} : vector<50x768xf32> to vector<1x768xf32>
    %broadcast_in_dim3A_349 = vector.shape_cast %slice3A_348 : vector<1x768xf32> to vector<1x768xf32>
    %broadcast_in_dim3A_350 = vector.broadcast %broadcast_in_dim3A_349 : vector<1x768xf32> to vector<6x768xf32>
    %concatenate3A_351 = tpu.concatenate %sub3A_339, %broadcast_in_dim3A_350 in 0 : vector<50x768xf32>, vector<6x768xf32> -> vector<56x768xf32>
    %slice3A_352 = vector.extract_strided_slice %sub3A_347 {offsets = [0, 0], sizes = [1, 1], strides = [1, 1]} : vector<50x1xf32> to vector<1x1xf32>
    %broadcast_in_dim3A_353 = vector.shape_cast %slice3A_352 : vector<1x1xf32> to vector<1x1xf32>
    %broadcast_in_dim3A_354 = vector.broadcast %broadcast_in_dim3A_353 : vector<1x1xf32> to vector<6x1xf32>
    %concatenate3A_355 = tpu.concatenate %sub3A_347, %broadcast_in_dim3A_354 in 0 : vector<50x1xf32>, vector<6x1xf32> -> vector<56x1xf32>
    %slice3A_356 = vector.extract_strided_slice %add3A_11 {offsets = [0, 640], sizes = [50, 64], strides = [1, 1]} : vector<50x768xf32> to vector<50x64xf32>
    %get3A_357 = arith.constant 640 : index
    %get3A_358 = arith.constant 0 : index
    %get3A_359 = vector.load %arg2[%get3A_357, %get3A_358] : memref<768x768xf32, #tpu.memory_space<vmem>>, vector<64x768xf32>
    %dot_general3A_360 = arith.constant dense<0.000000e+00> : vector<50x768xf32>
    %dot_general3A_361 = tpu.matmul %slice3A_356, %get3A_359, %dot_general3A_360 {dimension_numbers = #tpu.dot_dimension_numbers<[1], [0], [0], [1], [0, 0, 1, 1], [], []>, precision = #tpu.contract_precision<fp32>, transpose_lhs_hint = false} : vector<50x64xf32>, vector<64x768xf32>, vector<50x768xf32> -> vector<50x768xf32>
    %get3A_362 = arith.constant 0 : index
    %get3A_363 = arith.constant 640 : index
    %get3A_364 = vector.load %arg4[%get3A_362, %get3A_363] : memref<1x768xf32, #tpu.memory_space<vmem>>, vector<1x64xf32>
    %dot_general3A_365 = arith.constant dense<0.000000e+00> : vector<50x1xf32>
    %dot_general3A_366 = tpu.matmul %slice3A_356, %get3A_364, %dot_general3A_365 {dimension_numbers = #tpu.dot_dimension_numbers<[1], [1], [0], [0], [0, 0, 1, 0], [], []>, precision = #tpu.contract_precision<fp32>, transpose_lhs_hint = false} : vector<50x64xf32>, vector<1x64xf32>, vector<50x1xf32> -> vector<50x1xf32>
    %reduce_sum3A_367 = arith.constant dense<0.000000e+00> : vector<768xf32>
    %reduce_sum3A_368 = vector.multi_reduction <add>, %dot_general3A_361, %reduce_sum3A_367 [0] : vector<50x768xf32> to vector<768xf32>
    %broadcast_in_dim3A_369 = vector.shape_cast %reduce_sum3A_368 : vector<768xf32> to vector<1x768xf32>
    %div3A_370 = arith.constant 5.000000e+01 : f32
    %div3A_371 = vector.broadcast %div3A_370 : f32 to vector<1x768xf32>
    %div3A_372 = arith.divf %broadcast_in_dim3A_369, %div3A_371 : vector<1x768xf32>
    %sub3A_373 = vector.broadcast %div3A_372 : vector<1x768xf32> to vector<50x768xf32>
    %sub3A_374 = arith.subf %dot_general3A_361, %sub3A_373 : vector<50x768xf32>
    %reduce_sum3A_375 = arith.constant dense<0.000000e+00> : vector<1xf32>
    %reduce_sum3A_376 = vector.multi_reduction <add>, %dot_general3A_366, %reduce_sum3A_375 [0] : vector<50x1xf32> to vector<1xf32>
    %broadcast_in_dim3A_377 = vector.shape_cast %reduce_sum3A_376 : vector<1xf32> to vector<1x1xf32>
    %div3A_378 = arith.constant 5.000000e+01 : f32
    %div3A_379 = vector.broadcast %div3A_378 : f32 to vector<1x1xf32>
    %div3A_380 = arith.divf %broadcast_in_dim3A_377, %div3A_379 : vector<1x1xf32>
    %sub3A_381 = vector.broadcast %div3A_380 : vector<1x1xf32> to vector<50x1xf32>
    %sub3A_382 = arith.subf %dot_general3A_366, %sub3A_381 : vector<50x1xf32>
    %slice3A_383 = vector.extract_strided_slice %sub3A_374 {offsets = [0, 0], sizes = [1, 768], strides = [1, 1]} : vector<50x768xf32> to vector<1x768xf32>
    %broadcast_in_dim3A_384 = vector.shape_cast %slice3A_383 : vector<1x768xf32> to vector<1x768xf32>
    %broadcast_in_dim3A_385 = vector.broadcast %broadcast_in_dim3A_384 : vector<1x768xf32> to vector<6x768xf32>
    %concatenate3A_386 = tpu.concatenate %sub3A_374, %broadcast_in_dim3A_385 in 0 : vector<50x768xf32>, vector<6x768xf32> -> vector<56x768xf32>
    %slice3A_387 = vector.extract_strided_slice %sub3A_382 {offsets = [0, 0], sizes = [1, 1], strides = [1, 1]} : vector<50x1xf32> to vector<1x1xf32>
    %broadcast_in_dim3A_388 = vector.shape_cast %slice3A_387 : vector<1x1xf32> to vector<1x1xf32>
    %broadcast_in_dim3A_389 = vector.broadcast %broadcast_in_dim3A_388 : vector<1x1xf32> to vector<6x1xf32>
    %concatenate3A_390 = tpu.concatenate %sub3A_382, %broadcast_in_dim3A_389 in 0 : vector<50x1xf32>, vector<6x1xf32> -> vector<56x1xf32>
    %slice3A_391 = vector.extract_strided_slice %add3A_11 {offsets = [0, 704], sizes = [50, 64], strides = [1, 1]} : vector<50x768xf32> to vector<50x64xf32>
    %get3A_392 = arith.constant 704 : index
    %get3A_393 = arith.constant 0 : index
    %get3A_394 = vector.load %arg2[%get3A_392, %get3A_393] : memref<768x768xf32, #tpu.memory_space<vmem>>, vector<64x768xf32>
    %dot_general3A_395 = arith.constant dense<0.000000e+00> : vector<50x768xf32>
    %dot_general3A_396 = tpu.matmul %slice3A_391, %get3A_394, %dot_general3A_395 {dimension_numbers = #tpu.dot_dimension_numbers<[1], [0], [0], [1], [0, 0, 1, 1], [], []>, precision = #tpu.contract_precision<fp32>, transpose_lhs_hint = false} : vector<50x64xf32>, vector<64x768xf32>, vector<50x768xf32> -> vector<50x768xf32>
    %get3A_397 = arith.constant 0 : index
    %get3A_398 = arith.constant 704 : index
    %get3A_399 = vector.load %arg4[%get3A_397, %get3A_398] : memref<1x768xf32, #tpu.memory_space<vmem>>, vector<1x64xf32>
    %dot_general3A_400 = arith.constant dense<0.000000e+00> : vector<50x1xf32>
    %dot_general3A_401 = tpu.matmul %slice3A_391, %get3A_399, %dot_general3A_400 {dimension_numbers = #tpu.dot_dimension_numbers<[1], [1], [0], [0], [0, 0, 1, 0], [], []>, precision = #tpu.contract_precision<fp32>, transpose_lhs_hint = false} : vector<50x64xf32>, vector<1x64xf32>, vector<50x1xf32> -> vector<50x1xf32>
    %reduce_sum3A_402 = arith.constant dense<0.000000e+00> : vector<768xf32>
    %reduce_sum3A_403 = vector.multi_reduction <add>, %dot_general3A_396, %reduce_sum3A_402 [0] : vector<50x768xf32> to vector<768xf32>
    %broadcast_in_dim3A_404 = vector.shape_cast %reduce_sum3A_403 : vector<768xf32> to vector<1x768xf32>
    %div3A_405 = arith.constant 5.000000e+01 : f32
    %div3A_406 = vector.broadcast %div3A_405 : f32 to vector<1x768xf32>
    %div3A_407 = arith.divf %broadcast_in_dim3A_404, %div3A_406 : vector<1x768xf32>
    %sub3A_408 = vector.broadcast %div3A_407 : vector<1x768xf32> to vector<50x768xf32>
    %sub3A_409 = arith.subf %dot_general3A_396, %sub3A_408 : vector<50x768xf32>
    %reduce_sum3A_410 = arith.constant dense<0.000000e+00> : vector<1xf32>
    %reduce_sum3A_411 = vector.multi_reduction <add>, %dot_general3A_401, %reduce_sum3A_410 [0] : vector<50x1xf32> to vector<1xf32>
    %broadcast_in_dim3A_412 = vector.shape_cast %reduce_sum3A_411 : vector<1xf32> to vector<1x1xf32>
    %div3A_413 = arith.constant 5.000000e+01 : f32
    %div3A_414 = vector.broadcast %div3A_413 : f32 to vector<1x1xf32>
    %div3A_415 = arith.divf %broadcast_in_dim3A_412, %div3A_414 : vector<1x1xf32>
    %sub3A_416 = vector.broadcast %div3A_415 : vector<1x1xf32> to vector<50x1xf32>
    %sub3A_417 = arith.subf %dot_general3A_401, %sub3A_416 : vector<50x1xf32>
    %slice3A_418 = vector.extract_strided_slice %sub3A_409 {offsets = [0, 0], sizes = [1, 768], strides = [1, 1]} : vector<50x768xf32> to vector<1x768xf32>
    %broadcast_in_dim3A_419 = vector.shape_cast %slice3A_418 : vector<1x768xf32> to vector<1x768xf32>
    %broadcast_in_dim3A_420 = vector.broadcast %broadcast_in_dim3A_419 : vector<1x768xf32> to vector<6x768xf32>
    %concatenate3A_421 = tpu.concatenate %sub3A_409, %broadcast_in_dim3A_420 in 0 : vector<50x768xf32>, vector<6x768xf32> -> vector<56x768xf32>
    %slice3A_422 = vector.extract_strided_slice %sub3A_417 {offsets = [0, 0], sizes = [1, 1], strides = [1, 1]} : vector<50x1xf32> to vector<1x1xf32>
    %broadcast_in_dim3A_423 = vector.shape_cast %slice3A_422 : vector<1x1xf32> to vector<1x1xf32>
    %broadcast_in_dim3A_424 = vector.broadcast %broadcast_in_dim3A_423 : vector<1x1xf32> to vector<6x1xf32>
    %concatenate3A_425 = tpu.concatenate %sub3A_417, %broadcast_in_dim3A_424 in 0 : vector<50x1xf32>, vector<6x1xf32> -> vector<56x1xf32>
    %concatenate3A_426 = tpu.concatenate %concatenate3A, %concatenate3A_71, %concatenate3A_106, %concatenate3A_141, %concatenate3A_176, %concatenate3A_211, %concatenate3A_246, %concatenate3A_281, %concatenate3A_316, %concatenate3A_351, %concatenate3A_386, %concatenate3A_421 in 0 : vector<56x768xf32>, vector<56x768xf32>, vector<56x768xf32>, vector<56x768xf32>, vector<56x768xf32>, vector<56x768xf32>, vector<56x768xf32>, vector<56x768xf32>, vector<56x768xf32>, vector<56x768xf32>, vector<56x768xf32>, vector<56x768xf32> -> vector<672x768xf32>
    %swap3A = arith.constant 0 : index
    %swap3A_427 = arith.constant 0 : index
    %swap3A_428 = arith.constant 0 : index
    %swap3A_429 = vector.load %arg6[%swap3A, %swap3A_427, %swap3A_428] : memref<1x672x768xf32, #tpu.memory_space<vmem>>, vector<1x672x768xf32>
    %swap3A_430 = vector.shape_cast %swap3A_429 : vector<1x672x768xf32> to vector<672x768xf32>
    %swap3A_431 = vector.shape_cast %concatenate3A_426 : vector<672x768xf32> to vector<1x672x768xf32>
    tpu.vector_store %arg6[%swap3A, %swap3A_427, %swap3A_428], %swap3A_431 {strides = array<i32>} : memref<1x672x768xf32, #tpu.memory_space<vmem>>, vector<1x672x768xf32>,
    %concatenate3A_432 = tpu.concatenate %concatenate3A_40, %concatenate3A_75, %concatenate3A_110, %concatenate3A_145, %concatenate3A_180, %concatenate3A_215, %concatenate3A_250, %concatenate3A_285, %concatenate3A_320, %concatenate3A_355, %concatenate3A_390, %concatenate3A_425 in 0 : vector<56x1xf32>, vector<56x1xf32>, vector<56x1xf32>, vector<56x1xf32>, vector<56x1xf32>, vector<56x1xf32>, vector<56x1xf32>, vector<56x1xf32>, vector<56x1xf32>, vector<56x1xf32>, vector<56x1xf32>, vector<56x1xf32> -> vector<672x1xf32>
    %swap3A_433 = arith.constant 0 : index
    %swap3A_434 = arith.constant 0 : index
    %swap3A_435 = arith.constant 0 : index
    %swap3A_436 = vector.load %arg7[%swap3A_433, %swap3A_434, %swap3A_435] : memref<1x672x1xf32, #tpu.memory_space<vmem>>, vector<1x672x1xf32>
    %swap3A_437 = vector.shape_cast %swap3A_436 : vector<1x672x1xf32> to vector<672x1xf32>
    %swap3A_438 = vector.shape_cast %concatenate3A_432 : vector<672x1xf32> to vector<1x672x1xf32>
    tpu.vector_store %arg7[%swap3A_433, %swap3A_434, %swap3A_435], %swap3A_438 {strides = array<i32>} : memref<1x672x1xf32, #tpu.memory_space<vmem>>, vector<1x672x1xf32>,
    return
  }
  func.func @transform_0(%arg0: i32) -> (i32, i32, i32) {
    %c0_i32 = arith.constant 0 : i32
    %c0_i32_0 = arith.constant 0 : i32
    %c0_i32_1 = arith.constant 0 : i32
    return %arg0, %c0_i32, %c0_i32_0 : i32, i32, i32
  }
  func.func @transform_1(%arg0: i32) -> (i32, i32) {
    %c0_i32 = arith.constant 0 : i32
    %c0_i32_0 = arith.constant 0 : i32
    %c0_i32_1 = arith.constant 0 : i32
    return %c0_i32, %c0_i32_0 : i32, i32
  }
  func.func @transform_2(%arg0: i32) -> (i32, i32) {
    %c0_i32 = arith.constant 0 : i32
    %c0_i32_0 = arith.constant 0 : i32
    %c0_i32_1 = arith.constant 0 : i32
    return %c0_i32, %c0_i32_0 : i32, i32
  }
  func.func @transform_3(%arg0: i32) -> (i32, i32) {
    %c0_i32 = arith.constant 0 : i32
    %c0_i32_0 = arith.constant 0 : i32
    %c0_i32_1 = arith.constant 0 : i32
    return %c0_i32, %c0_i32_0 : i32, i32
  }
  func.func @transform_4(%arg0: i32) -> (i32, i32) {
    %c0_i32 = arith.constant 0 : i32
    %c0_i32_0 = arith.constant 0 : i32
    %c0_i32_1 = arith.constant 0 : i32
    return %c0_i32, %c0_i32_0 : i32, i32
  }
  func.func @transform_5(%arg0: i32) -> (i32, i32, i32) {
    %c0_i32 = arith.constant 0 : i32
    %c0_i32_0 = arith.constant 0 : i32
    %c0_i32_1 = arith.constant 0 : i32
    return %arg0, %c0_i32, %c0_i32_0 : i32, i32, i32
  }
  func.func @transform_6(%arg0: i32) -> (i32, i32, i32) {
    %c0_i32 = arith.constant 0 : i32
    %c0_i32_0 = arith.constant 0 : i32
    %c0_i32_1 = arith.constant 0 : i32
    return %arg0, %c0_i32, %c0_i32_0 : i32, i32, i32
  }
}

module attributes {stable_mosaic.version = 14 : i64} {
  func.func @_scores_body(%arg0: i32, %arg1: i32, %arg2: memref<1x2048x768xf32, #tpu.memory_space<vmem>>, %arg3: memref<1x672x768xf32, #tpu.memory_space<vmem>>, %arg4: memref<1x672x1xf32, #tpu.memory_space<vmem>>, %arg5: memref<1x16x2048xf32, #tpu.memory_space<vmem>>) attributes {dimension_semantics = [#tpu.dimension_semantics<arbitrary>, #tpu.dimension_semantics<arbitrary>], iteration_bounds = array<i64: 4, 4>, scalar_prefetch = 0 : i64, scratch_operands = 0 : i64, tpu.core_type = #tpu.core_type<tc>, window_params = [{transform_indices = @transform_0, window_bounds = array<i64: 1, 2048, 768>}, {transform_indices = @transform_1, window_bounds = array<i64: 1, 672, 768>}, {transform_indices = @transform_2, window_bounds = array<i64: 1, 672, 1>}, {transform_indices = @transform_3, window_bounds = array<i64: 1, 16, 2048>}]} {
    %get3A = arith.constant 0 : index
    %get3A_0 = arith.constant 0 : index
    %get3A_1 = arith.constant 0 : index
    %get3A_2 = vector.load %arg2[%get3A, %get3A_0, %get3A_1] : memref<1x2048x768xf32, #tpu.memory_space<vmem>>, vector<1x2048x768xf32>
    %get3A_3 = vector.shape_cast %get3A_2 : vector<1x2048x768xf32> to vector<2048x768xf32>
    %get3A_4 = arith.constant 0 : index
    %get3A_5 = arith.constant 0 : index
    %get3A_6 = arith.constant 0 : index
    %get3A_7 = vector.load %arg3[%get3A_4, %get3A_5, %get3A_6] : memref<1x672x768xf32, #tpu.memory_space<vmem>>, vector<1x672x768xf32>
    %get3A_8 = vector.shape_cast %get3A_7 : vector<1x672x768xf32> to vector<672x768xf32>
    %dot_general3A = arith.constant dense<0.000000e+00> : vector<672x2048xf32>
    %dot_general3A_9 = tpu.matmul %get3A_8, %get3A_3, %dot_general3A {dimension_numbers = #tpu.dot_dimension_numbers<[1], [1], [0], [0], [0, 0, 1, 0], [], []>, precision = #tpu.contract_precision<fp32>, transpose_lhs_hint = false} : vector<672x768xf32>, vector<2048x768xf32>, vector<672x2048xf32> -> vector<672x2048xf32>
    %get3A_10 = arith.constant 0 : index
    %get3A_11 = arith.constant 0 : index
    %get3A_12 = arith.constant 0 : index
    %get3A_13 = vector.load %arg4[%get3A_10, %get3A_11, %get3A_12] : memref<1x672x1xf32, #tpu.memory_space<vmem>>, vector<1x672x1xf32>
    %get3A_14 = vector.shape_cast %get3A_13 : vector<1x672x1xf32> to vector<672x1xf32>
    %add3A = vector.broadcast %get3A_14 : vector<672x1xf32> to vector<672x2048xf32>
    %add3A_15 = arith.addf %dot_general3A_9, %add3A : vector<672x2048xf32>
    %reshape3A = vector.shape_cast %add3A_15 : vector<672x2048xf32> to vector<12x56x2048xf32>
    %reduce_max3A = arith.constant dense<0xFF800000> : vector<12x2048xf32>
    %reduce_max3A_16 = vector.multi_reduction <maximumf>, %reshape3A, %reduce_max3A [1] : vector<12x56x2048xf32> to vector<12x2048xf32>
    %broadcast_in_dim3A = arith.constant -1.000000e+30 : f32
    %broadcast_in_dim3A_17 = vector.broadcast %broadcast_in_dim3A : f32 to vector<4x2048xf32>
    %concatenate3A = tpu.concatenate %reduce_max3A_16, %broadcast_in_dim3A_17 in 0 : vector<12x2048xf32>, vector<4x2048xf32> -> vector<16x2048xf32>
    %swap3A = arith.constant 0 : index
    %swap3A_18 = arith.constant 0 : index
    %swap3A_19 = arith.constant 0 : index
    %swap3A_20 = vector.load %arg5[%swap3A, %swap3A_18, %swap3A_19] : memref<1x16x2048xf32, #tpu.memory_space<vmem>>, vector<1x16x2048xf32>
    %swap3A_21 = vector.shape_cast %swap3A_20 : vector<1x16x2048xf32> to vector<16x2048xf32>
    %swap3A_22 = vector.shape_cast %concatenate3A : vector<16x2048xf32> to vector<1x16x2048xf32>
    tpu.vector_store %arg5[%swap3A, %swap3A_18, %swap3A_19], %swap3A_22 {strides = array<i32>} : memref<1x16x2048xf32, #tpu.memory_space<vmem>>, vector<1x16x2048xf32>,
    return
  }
  func.func @transform_0(%arg0: i32, %arg1: i32) -> (i32, i32, i32) {
    %c0_i32 = arith.constant 0 : i32
    %c0_i32_0 = arith.constant 0 : i32
    return %arg0, %arg1, %c0_i32 : i32, i32, i32
  }
  func.func @transform_1(%arg0: i32, %arg1: i32) -> (i32, i32, i32) {
    %c0_i32 = arith.constant 0 : i32
    %c0_i32_0 = arith.constant 0 : i32
    %c0_i32_1 = arith.constant 0 : i32
    return %arg0, %c0_i32, %c0_i32_0 : i32, i32, i32
  }
  func.func @transform_2(%arg0: i32, %arg1: i32) -> (i32, i32, i32) {
    %c0_i32 = arith.constant 0 : i32
    %c0_i32_0 = arith.constant 0 : i32
    %c0_i32_1 = arith.constant 0 : i32
    return %arg0, %c0_i32, %c0_i32_0 : i32, i32, i32
  }
  func.func @transform_3(%arg0: i32, %arg1: i32) -> (i32, i32, i32) {
    %c0_i32 = arith.constant 0 : i32
    %c0_i32_0 = arith.constant 0 : i32
    return %arg0, %c0_i32, %arg1 : i32, i32, i32
  }
}

module attributes {stable_mosaic.version = 14 : i64} {
  func.func @_flash_body(%arg0: i32, %arg1: i32, %arg2: memref<1x1024x768xf32, #tpu.memory_space<vmem>>, %arg3: memref<1x768x768xf32, #tpu.memory_space<vmem>>, %arg4: memref<768x768xf32, #tpu.memory_space<vmem>>, %arg5: memref<768x768xf32, #tpu.memory_space<vmem>>, %arg6: memref<768x768xf32, #tpu.memory_space<vmem>>, %arg7: memref<768x768xf32, #tpu.memory_space<vmem>>, %arg8: memref<1x768xf32, #tpu.memory_space<vmem>>, %arg9: memref<1x768xf32, #tpu.memory_space<vmem>>, %arg10: memref<1x768xf32, #tpu.memory_space<vmem>>, %arg11: memref<1x768xf32, #tpu.memory_space<vmem>>, %arg12: memref<1x768x768xbf16, #tpu.memory_space<vmem>>, %arg13: memref<1x1x768xf32, #tpu.memory_space<vmem>>, %arg14: memref<768x64xbf16, #tpu.memory_space<vmem>>, %arg15: memref<768x64xf32, #tpu.memory_space<vmem>>, %arg16: memref<768x128xf32, #tpu.memory_space<vmem>>, %arg17: memref<8x768xf32, #tpu.memory_space<vmem>>, %arg18: memref<768x1024xf32, #tpu.memory_space<vmem>>, %arg19: memref<1024x768xbf16, #tpu.memory_space<vmem>>) attributes {dimension_semantics = [#tpu.dimension_semantics<arbitrary>, #tpu.dimension_semantics<arbitrary>], iteration_bounds = array<i64: 4, 9>, scalar_prefetch = 0 : i64, scratch_operands = 6 : i64, tpu.core_type = #tpu.core_type<tc>, window_params = [{transform_indices = @transform_0, window_bounds = array<i64: 1, 1024, 768>}, {transform_indices = @transform_1, window_bounds = array<i64: 1, 768, 768>}, {pipeline_mode = #tpu.pipeline_mode<synchronous>, transform_indices = @transform_2, window_bounds = array<i64: 768, 768>}, {pipeline_mode = #tpu.pipeline_mode<synchronous>, transform_indices = @transform_3, window_bounds = array<i64: 768, 768>}, {pipeline_mode = #tpu.pipeline_mode<synchronous>, transform_indices = @transform_4, window_bounds = array<i64: 768, 768>}, {pipeline_mode = #tpu.pipeline_mode<synchronous>, transform_indices = @transform_5, window_bounds = array<i64: 768, 768>}, {pipeline_mode = #tpu.pipeline_mode<synchronous>, transform_indices = @transform_6, window_bounds = array<i64: 1, 768>}, {pipeline_mode = #tpu.pipeline_mode<synchronous>, transform_indices = @transform_7, window_bounds = array<i64: 1, 768>}, {pipeline_mode = #tpu.pipeline_mode<synchronous>, transform_indices = @transform_8, window_bounds = array<i64: 1, 768>}, {pipeline_mode = #tpu.pipeline_mode<synchronous>, transform_indices = @transform_9, window_bounds = array<i64: 1, 768>}, {transform_indices = @transform_10, window_bounds = array<i64: 1, 768, 768>}, {transform_indices = @transform_11, window_bounds = array<i64: 1, 1, 768>}]} {
    %eq3A = arith.constant 0 : i32
    %eq3A_0 = arith.cmpi eq, %arg1, %eq3A : i32
    %convert_element_type3A = arith.extui %eq3A_0 : i1 to i32
    %cond3A = arith.constant 0 : i32
    %cond3A_1 = arith.cmpi ne, %convert_element_type3A, %cond3A : i32
    scf.if %cond3A_1 {
      %get3A_197 = arith.constant 0 : index
      %get3A_198 = arith.constant 0 : index
      %get3A_199 = arith.constant 0 : index
      %get3A_200 = vector.load %arg3[%get3A_197, %get3A_198, %get3A_199] : memref<1x768x768xf32, #tpu.memory_space<vmem>>, vector<1x768x768xf32>
      %get3A_201 = vector.shape_cast %get3A_200 : vector<1x768x768xf32> to vector<768x768xf32>
      %convert_element_type3A_202 = arith.truncf %get3A_201 : vector<768x768xf32> to vector<768x768xbf16>
      %get3A_203 = arith.constant 0 : index
      %get3A_204 = arith.constant 0 : index
      %get3A_205 = vector.load %arg4[%get3A_203, %get3A_204] : memref<768x768xf32, #tpu.memory_space<vmem>>, vector<768x768xf32>
      %convert_element_type3A_206 = arith.truncf %get3A_205 : vector<768x768xf32> to vector<768x768xbf16>
      %slice3A_207 = vector.extract_strided_slice %convert_element_type3A_202 {offsets = [0, 0], sizes = [64, 768], strides = [1, 1]} : vector<768x768xbf16> to vector<64x768xbf16>
      %slice3A_208 = vector.extract_strided_slice %convert_element_type3A_206 {offsets = [0, 0], sizes = [64, 768], strides = [1, 1]} : vector<768x768xbf16> to vector<64x768xbf16>
      %dot_general3A_209 = arith.constant dense<0.000000e+00> : vector<64x64xf32>
      %dot_general3A_210 = tpu.matmul %slice3A_207, %slice3A_208, %dot_general3A_209 {dimension_numbers = #tpu.dot_dimension_numbers<[1], [1], [0], [0], [0, 0, 1, 0], [], []>, transpose_lhs_hint = false} : vector<64x768xbf16>, vector<64x768xbf16>, vector<64x64xf32> -> vector<64x64xf32>
      %get3A_211 = arith.constant 0 : index
      %get3A_212 = arith.constant 0 : index
      %get3A_213 = vector.load %arg8[%get3A_211, %get3A_212] : memref<1x768xf32, #tpu.memory_space<vmem>>, vector<1x64xf32>
      %add3A_214 = vector.broadcast %get3A_213 : vector<1x64xf32> to vector<64x64xf32>
      %add3A_215 = arith.addf %dot_general3A_210, %add3A_214 : vector<64x64xf32>
      %convert_element_type3A_216 = arith.truncf %add3A_215 : vector<64x64xf32> to vector<64x64xbf16>
      %swap3A_217 = arith.constant 0 : index
      %swap3A_218 = arith.constant 0 : index
      %swap3A_219 = vector.load %arg14[%swap3A_217, %swap3A_218] : memref<768x64xbf16, #tpu.memory_space<vmem>>, vector<64x64xbf16>
      tpu.vector_store %arg14[%swap3A_217, %swap3A_218], %convert_element_type3A_216 {strides = array<i32>} : memref<768x64xbf16, #tpu.memory_space<vmem>>, vector<64x64xbf16>,
      %slice3A_220 = vector.extract_strided_slice %convert_element_type3A_202 {offsets = [64, 0], sizes = [64, 768], strides = [1, 1]} : vector<768x768xbf16> to vector<64x768xbf16>
      %slice3A_221 = vector.extract_strided_slice %convert_element_type3A_206 {offsets = [64, 0], sizes = [64, 768], strides = [1, 1]} : vector<768x768xbf16> to vector<64x768xbf16>
      %dot_general3A_222 = arith.constant dense<0.000000e+00> : vector<64x64xf32>
      %dot_general3A_223 = tpu.matmul %slice3A_220, %slice3A_221, %dot_general3A_222 {dimension_numbers = #tpu.dot_dimension_numbers<[1], [1], [0], [0], [0, 0, 1, 0], [], []>, transpose_lhs_hint = false} : vector<64x768xbf16>, vector<64x768xbf16>, vector<64x64xf32> -> vector<64x64xf32>
      %get3A_224 = arith.constant 0 : index
      %get3A_225 = arith.constant 64 : index
      %get3A_226 = vector.load %arg8[%get3A_224, %get3A_225] : memref<1x768xf32, #tpu.memory_space<vmem>>, vector<1x64xf32>
      %add3A_227 = vector.broadcast %get3A_226 : vector<1x64xf32> to vector<64x64xf32>
      %add3A_228 = arith.addf %dot_general3A_223, %add3A_227 : vector<64x64xf32>
      %convert_element_type3A_229 = arith.truncf %add3A_228 : vector<64x64xf32> to vector<64x64xbf16>
      %swap3A_230 = arith.constant 64 : index
      %swap3A_231 = arith.constant 0 : index
      %swap3A_232 = vector.load %arg14[%swap3A_230, %swap3A_231] : memref<768x64xbf16, #tpu.memory_space<vmem>>, vector<64x64xbf16>
      tpu.vector_store %arg14[%swap3A_230, %swap3A_231], %convert_element_type3A_229 {strides = array<i32>} : memref<768x64xbf16, #tpu.memory_space<vmem>>, vector<64x64xbf16>,
      %slice3A_233 = vector.extract_strided_slice %convert_element_type3A_202 {offsets = [128, 0], sizes = [64, 768], strides = [1, 1]} : vector<768x768xbf16> to vector<64x768xbf16>
      %slice3A_234 = vector.extract_strided_slice %convert_element_type3A_206 {offsets = [128, 0], sizes = [64, 768], strides = [1, 1]} : vector<768x768xbf16> to vector<64x768xbf16>
      %dot_general3A_235 = arith.constant dense<0.000000e+00> : vector<64x64xf32>
      %dot_general3A_236 = tpu.matmul %slice3A_233, %slice3A_234, %dot_general3A_235 {dimension_numbers = #tpu.dot_dimension_numbers<[1], [1], [0], [0], [0, 0, 1, 0], [], []>, transpose_lhs_hint = false} : vector<64x768xbf16>, vector<64x768xbf16>, vector<64x64xf32> -> vector<64x64xf32>
      %get3A_237 = arith.constant 0 : index
      %get3A_238 = arith.constant 128 : index
      %get3A_239 = vector.load %arg8[%get3A_237, %get3A_238] : memref<1x768xf32, #tpu.memory_space<vmem>>, vector<1x64xf32>
      %add3A_240 = vector.broadcast %get3A_239 : vector<1x64xf32> to vector<64x64xf32>
      %add3A_241 = arith.addf %dot_general3A_236, %add3A_240 : vector<64x64xf32>
      %convert_element_type3A_242 = arith.truncf %add3A_241 : vector<64x64xf32> to vector<64x64xbf16>
      %swap3A_243 = arith.constant 128 : index
      %swap3A_244 = arith.constant 0 : index
      %swap3A_245 = vector.load %arg14[%swap3A_243, %swap3A_244] : memref<768x64xbf16, #tpu.memory_space<vmem>>, vector<64x64xbf16>
      tpu.vector_store %arg14[%swap3A_243, %swap3A_244], %convert_element_type3A_242 {strides = array<i32>} : memref<768x64xbf16, #tpu.memory_space<vmem>>, vector<64x64xbf16>,
      %slice3A_246 = vector.extract_strided_slice %convert_element_type3A_202 {offsets = [192, 0], sizes = [64, 768], strides = [1, 1]} : vector<768x768xbf16> to vector<64x768xbf16>
      %slice3A_247 = vector.extract_strided_slice %convert_element_type3A_206 {offsets = [192, 0], sizes = [64, 768], strides = [1, 1]} : vector<768x768xbf16> to vector<64x768xbf16>
      %dot_general3A_248 = arith.constant dense<0.000000e+00> : vector<64x64xf32>
      %dot_general3A_249 = tpu.matmul %slice3A_246, %slice3A_247, %dot_general3A_248 {dimension_numbers = #tpu.dot_dimension_numbers<[1], [1], [0], [0], [0, 0, 1, 0], [], []>, transpose_lhs_hint = false} : vector<64x768xbf16>, vector<64x768xbf16>, vector<64x64xf32> -> vector<64x64xf32>
      %get3A_250 = arith.constant 0 : index
      %get3A_251 = arith.constant 192 : index
      %get3A_252 = vector.load %arg8[%get3A_250, %get3A_251] : memref<1x768xf32, #tpu.memory_space<vmem>>, vector<1x64xf32>
      %add3A_253 = vector.broadcast %get3A_252 : vector<1x64xf32> to vector<64x64xf32>
      %add3A_254 = arith.addf %dot_general3A_249, %add3A_253 : vector<64x64xf32>
      %convert_element_type3A_255 = arith.truncf %add3A_254 : vector<64x64xf32> to vector<64x64xbf16>
      %swap3A_256 = arith.constant 192 : index
      %swap3A_257 = arith.constant 0 : index
      %swap3A_258 = vector.load %arg14[%swap3A_256, %swap3A_257] : memref<768x64xbf16, #tpu.memory_space<vmem>>, vector<64x64xbf16>
      tpu.vector_store %arg14[%swap3A_256, %swap3A_257], %convert_element_type3A_255 {strides = array<i32>} : memref<768x64xbf16, #tpu.memory_space<vmem>>, vector<64x64xbf16>,
      %slice3A_259 = vector.extract_strided_slice %convert_element_type3A_202 {offsets = [256, 0], sizes = [64, 768], strides = [1, 1]} : vector<768x768xbf16> to vector<64x768xbf16>
      %slice3A_260 = vector.extract_strided_slice %convert_element_type3A_206 {offsets = [256, 0], sizes = [64, 768], strides = [1, 1]} : vector<768x768xbf16> to vector<64x768xbf16>
      %dot_general3A_261 = arith.constant dense<0.000000e+00> : vector<64x64xf32>
      %dot_general3A_262 = tpu.matmul %slice3A_259, %slice3A_260, %dot_general3A_261 {dimension_numbers = #tpu.dot_dimension_numbers<[1], [1], [0], [0], [0, 0, 1, 0], [], []>, transpose_lhs_hint = false} : vector<64x768xbf16>, vector<64x768xbf16>, vector<64x64xf32> -> vector<64x64xf32>
      %get3A_263 = arith.constant 0 : index
      %get3A_264 = arith.constant 256 : index
      %get3A_265 = vector.load %arg8[%get3A_263, %get3A_264] : memref<1x768xf32, #tpu.memory_space<vmem>>, vector<1x64xf32>
      %add3A_266 = vector.broadcast %get3A_265 : vector<1x64xf32> to vector<64x64xf32>
      %add3A_267 = arith.addf %dot_general3A_262, %add3A_266 : vector<64x64xf32>
      %convert_element_type3A_268 = arith.truncf %add3A_267 : vector<64x64xf32> to vector<64x64xbf16>
      %swap3A_269 = arith.constant 256 : index
      %swap3A_270 = arith.constant 0 : index
      %swap3A_271 = vector.load %arg14[%swap3A_269, %swap3A_270] : memref<768x64xbf16, #tpu.memory_space<vmem>>, vector<64x64xbf16>
      tpu.vector_store %arg14[%swap3A_269, %swap3A_270], %convert_element_type3A_268 {strides = array<i32>} : memref<768x64xbf16, #tpu.memory_space<vmem>>, vector<64x64xbf16>,
      %slice3A_272 = vector.extract_strided_slice %convert_element_type3A_202 {offsets = [320, 0], sizes = [64, 768], strides = [1, 1]} : vector<768x768xbf16> to vector<64x768xbf16>
      %slice3A_273 = vector.extract_strided_slice %convert_element_type3A_206 {offsets = [320, 0], sizes = [64, 768], strides = [1, 1]} : vector<768x768xbf16> to vector<64x768xbf16>
      %dot_general3A_274 = arith.constant dense<0.000000e+00> : vector<64x64xf32>
      %dot_general3A_275 = tpu.matmul %slice3A_272, %slice3A_273, %dot_general3A_274 {dimension_numbers = #tpu.dot_dimension_numbers<[1], [1], [0], [0], [0, 0, 1, 0], [], []>, transpose_lhs_hint = false} : vector<64x768xbf16>, vector<64x768xbf16>, vector<64x64xf32> -> vector<64x64xf32>
      %get3A_276 = arith.constant 0 : index
      %get3A_277 = arith.constant 320 : index
      %get3A_278 = vector.load %arg8[%get3A_276, %get3A_277] : memref<1x768xf32, #tpu.memory_space<vmem>>, vector<1x64xf32>
      %add3A_279 = vector.broadcast %get3A_278 : vector<1x64xf32> to vector<64x64xf32>
      %add3A_280 = arith.addf %dot_general3A_275, %add3A_279 : vector<64x64xf32>
      %convert_element_type3A_281 = arith.truncf %add3A_280 : vector<64x64xf32> to vector<64x64xbf16>
      %swap3A_282 = arith.constant 320 : index
      %swap3A_283 = arith.constant 0 : index
      %swap3A_284 = vector.load %arg14[%swap3A_282, %swap3A_283] : memref<768x64xbf16, #tpu.memory_space<vmem>>, vector<64x64xbf16>
      tpu.vector_store %arg14[%swap3A_282, %swap3A_283], %convert_element_type3A_281 {strides = array<i32>} : memref<768x64xbf16, #tpu.memory_space<vmem>>, vector<64x64xbf16>,
      %slice3A_285 = vector.extract_strided_slice %convert_element_type3A_202 {offsets = [384, 0], sizes = [64, 768], strides = [1, 1]} : vector<768x768xbf16> to vector<64x768xbf16>
      %slice3A_286 = vector.extract_strided_slice %convert_element_type3A_206 {offsets = [384, 0], sizes = [64, 768], strides = [1, 1]} : vector<768x768xbf16> to vector<64x768xbf16>
      %dot_general3A_287 = arith.constant dense<0.000000e+00> : vector<64x64xf32>
      %dot_general3A_288 = tpu.matmul %slice3A_285, %slice3A_286, %dot_general3A_287 {dimension_numbers = #tpu.dot_dimension_numbers<[1], [1], [0], [0], [0, 0, 1, 0], [], []>, transpose_lhs_hint = false} : vector<64x768xbf16>, vector<64x768xbf16>, vector<64x64xf32> -> vector<64x64xf32>
      %get3A_289 = arith.constant 0 : index
      %get3A_290 = arith.constant 384 : index
      %get3A_291 = vector.load %arg8[%get3A_289, %get3A_290] : memref<1x768xf32, #tpu.memory_space<vmem>>, vector<1x64xf32>
      %add3A_292 = vector.broadcast %get3A_291 : vector<1x64xf32> to vector<64x64xf32>
      %add3A_293 = arith.addf %dot_general3A_288, %add3A_292 : vector<64x64xf32>
      %convert_element_type3A_294 = arith.truncf %add3A_293 : vector<64x64xf32> to vector<64x64xbf16>
      %swap3A_295 = arith.constant 384 : index
      %swap3A_296 = arith.constant 0 : index
      %swap3A_297 = vector.load %arg14[%swap3A_295, %swap3A_296] : memref<768x64xbf16, #tpu.memory_space<vmem>>, vector<64x64xbf16>
      tpu.vector_store %arg14[%swap3A_295, %swap3A_296], %convert_element_type3A_294 {strides = array<i32>} : memref<768x64xbf16, #tpu.memory_space<vmem>>, vector<64x64xbf16>,
      %slice3A_298 = vector.extract_strided_slice %convert_element_type3A_202 {offsets = [448, 0], sizes = [64, 768], strides = [1, 1]} : vector<768x768xbf16> to vector<64x768xbf16>
      %slice3A_299 = vector.extract_strided_slice %convert_element_type3A_206 {offsets = [448, 0], sizes = [64, 768], strides = [1, 1]} : vector<768x768xbf16> to vector<64x768xbf16>
      %dot_general3A_300 = arith.constant dense<0.000000e+00> : vector<64x64xf32>
      %dot_general3A_301 = tpu.matmul %slice3A_298, %slice3A_299, %dot_general3A_300 {dimension_numbers = #tpu.dot_dimension_numbers<[1], [1], [0], [0], [0, 0, 1, 0], [], []>, transpose_lhs_hint = false} : vector<64x768xbf16>, vector<64x768xbf16>, vector<64x64xf32> -> vector<64x64xf32>
      %get3A_302 = arith.constant 0 : index
      %get3A_303 = arith.constant 448 : index
      %get3A_304 = vector.load %arg8[%get3A_302, %get3A_303] : memref<1x768xf32, #tpu.memory_space<vmem>>, vector<1x64xf32>
      %add3A_305 = vector.broadcast %get3A_304 : vector<1x64xf32> to vector<64x64xf32>
      %add3A_306 = arith.addf %dot_general3A_301, %add3A_305 : vector<64x64xf32>
      %convert_element_type3A_307 = arith.truncf %add3A_306 : vector<64x64xf32> to vector<64x64xbf16>
      %swap3A_308 = arith.constant 448 : index
      %swap3A_309 = arith.constant 0 : index
      %swap3A_310 = vector.load %arg14[%swap3A_308, %swap3A_309] : memref<768x64xbf16, #tpu.memory_space<vmem>>, vector<64x64xbf16>
      tpu.vector_store %arg14[%swap3A_308, %swap3A_309], %convert_element_type3A_307 {strides = array<i32>} : memref<768x64xbf16, #tpu.memory_space<vmem>>, vector<64x64xbf16>,
      %slice3A_311 = vector.extract_strided_slice %convert_element_type3A_202 {offsets = [512, 0], sizes = [64, 768], strides = [1, 1]} : vector<768x768xbf16> to vector<64x768xbf16>
      %slice3A_312 = vector.extract_strided_slice %convert_element_type3A_206 {offsets = [512, 0], sizes = [64, 768], strides = [1, 1]} : vector<768x768xbf16> to vector<64x768xbf16>
      %dot_general3A_313 = arith.constant dense<0.000000e+00> : vector<64x64xf32>
      %dot_general3A_314 = tpu.matmul %slice3A_311, %slice3A_312, %dot_general3A_313 {dimension_numbers = #tpu.dot_dimension_numbers<[1], [1], [0], [0], [0, 0, 1, 0], [], []>, transpose_lhs_hint = false} : vector<64x768xbf16>, vector<64x768xbf16>, vector<64x64xf32> -> vector<64x64xf32>
      %get3A_315 = arith.constant 0 : index
      %get3A_316 = arith.constant 512 : index
      %get3A_317 = vector.load %arg8[%get3A_315, %get3A_316] : memref<1x768xf32, #tpu.memory_space<vmem>>, vector<1x64xf32>
      %add3A_318 = vector.broadcast %get3A_317 : vector<1x64xf32> to vector<64x64xf32>
      %add3A_319 = arith.addf %dot_general3A_314, %add3A_318 : vector<64x64xf32>
      %convert_element_type3A_320 = arith.truncf %add3A_319 : vector<64x64xf32> to vector<64x64xbf16>
      %swap3A_321 = arith.constant 512 : index
      %swap3A_322 = arith.constant 0 : index
      %swap3A_323 = vector.load %arg14[%swap3A_321, %swap3A_322] : memref<768x64xbf16, #tpu.memory_space<vmem>>, vector<64x64xbf16>
      tpu.vector_store %arg14[%swap3A_321, %swap3A_322], %convert_element_type3A_320 {strides = array<i32>} : memref<768x64xbf16, #tpu.memory_space<vmem>>, vector<64x64xbf16>,
      %slice3A_324 = vector.extract_strided_slice %convert_element_type3A_202 {offsets = [576, 0], sizes = [64, 768], strides = [1, 1]} : vector<768x768xbf16> to vector<64x768xbf16>
      %slice3A_325 = vector.extract_strided_slice %convert_element_type3A_206 {offsets = [576, 0], sizes = [64, 768], strides = [1, 1]} : vector<768x768xbf16> to vector<64x768xbf16>
      %dot_general3A_326 = arith.constant dense<0.000000e+00> : vector<64x64xf32>
      %dot_general3A_327 = tpu.matmul %slice3A_324, %slice3A_325, %dot_general3A_326 {dimension_numbers = #tpu.dot_dimension_numbers<[1], [1], [0], [0], [0, 0, 1, 0], [], []>, transpose_lhs_hint = false} : vector<64x768xbf16>, vector<64x768xbf16>, vector<64x64xf32> -> vector<64x64xf32>
      %get3A_328 = arith.constant 0 : index
      %get3A_329 = arith.constant 576 : index
      %get3A_330 = vector.load %arg8[%get3A_328, %get3A_329] : memref<1x768xf32, #tpu.memory_space<vmem>>, vector<1x64xf32>
      %add3A_331 = vector.broadcast %get3A_330 : vector<1x64xf32> to vector<64x64xf32>
      %add3A_332 = arith.addf %dot_general3A_327, %add3A_331 : vector<64x64xf32>
      %convert_element_type3A_333 = arith.truncf %add3A_332 : vector<64x64xf32> to vector<64x64xbf16>
      %swap3A_334 = arith.constant 576 : index
      %swap3A_335 = arith.constant 0 : index
      %swap3A_336 = vector.load %arg14[%swap3A_334, %swap3A_335] : memref<768x64xbf16, #tpu.memory_space<vmem>>, vector<64x64xbf16>
      tpu.vector_store %arg14[%swap3A_334, %swap3A_335], %convert_element_type3A_333 {strides = array<i32>} : memref<768x64xbf16, #tpu.memory_space<vmem>>, vector<64x64xbf16>,
      %slice3A_337 = vector.extract_strided_slice %convert_element_type3A_202 {offsets = [640, 0], sizes = [64, 768], strides = [1, 1]} : vector<768x768xbf16> to vector<64x768xbf16>
      %slice3A_338 = vector.extract_strided_slice %convert_element_type3A_206 {offsets = [640, 0], sizes = [64, 768], strides = [1, 1]} : vector<768x768xbf16> to vector<64x768xbf16>
      %dot_general3A_339 = arith.constant dense<0.000000e+00> : vector<64x64xf32>
      %dot_general3A_340 = tpu.matmul %slice3A_337, %slice3A_338, %dot_general3A_339 {dimension_numbers = #tpu.dot_dimension_numbers<[1], [1], [0], [0], [0, 0, 1, 0], [], []>, transpose_lhs_hint = false} : vector<64x768xbf16>, vector<64x768xbf16>, vector<64x64xf32> -> vector<64x64xf32>
      %get3A_341 = arith.constant 0 : index
      %get3A_342 = arith.constant 640 : index
      %get3A_343 = vector.load %arg8[%get3A_341, %get3A_342] : memref<1x768xf32, #tpu.memory_space<vmem>>, vector<1x64xf32>
      %add3A_344 = vector.broadcast %get3A_343 : vector<1x64xf32> to vector<64x64xf32>
      %add3A_345 = arith.addf %dot_general3A_340, %add3A_344 : vector<64x64xf32>
      %convert_element_type3A_346 = arith.truncf %add3A_345 : vector<64x64xf32> to vector<64x64xbf16>
      %swap3A_347 = arith.constant 640 : index
      %swap3A_348 = arith.constant 0 : index
      %swap3A_349 = vector.load %arg14[%swap3A_347, %swap3A_348] : memref<768x64xbf16, #tpu.memory_space<vmem>>, vector<64x64xbf16>
      tpu.vector_store %arg14[%swap3A_347, %swap3A_348], %convert_element_type3A_346 {strides = array<i32>} : memref<768x64xbf16, #tpu.memory_space<vmem>>, vector<64x64xbf16>,
      %slice3A_350 = vector.extract_strided_slice %convert_element_type3A_202 {offsets = [704, 0], sizes = [64, 768], strides = [1, 1]} : vector<768x768xbf16> to vector<64x768xbf16>
      %slice3A_351 = vector.extract_strided_slice %convert_element_type3A_206 {offsets = [704, 0], sizes = [64, 768], strides = [1, 1]} : vector<768x768xbf16> to vector<64x768xbf16>
      %dot_general3A_352 = arith.constant dense<0.000000e+00> : vector<64x64xf32>
      %dot_general3A_353 = tpu.matmul %slice3A_350, %slice3A_351, %dot_general3A_352 {dimension_numbers = #tpu.dot_dimension_numbers<[1], [1], [0], [0], [0, 0, 1, 0], [], []>, transpose_lhs_hint = false} : vector<64x768xbf16>, vector<64x768xbf16>, vector<64x64xf32> -> vector<64x64xf32>
      %get3A_354 = arith.constant 0 : index
      %get3A_355 = arith.constant 704 : index
      %get3A_356 = vector.load %arg8[%get3A_354, %get3A_355] : memref<1x768xf32, #tpu.memory_space<vmem>>, vector<1x64xf32>
      %add3A_357 = vector.broadcast %get3A_356 : vector<1x64xf32> to vector<64x64xf32>
      %add3A_358 = arith.addf %dot_general3A_353, %add3A_357 : vector<64x64xf32>
      %convert_element_type3A_359 = arith.truncf %add3A_358 : vector<64x64xf32> to vector<64x64xbf16>
      %swap3A_360 = arith.constant 704 : index
      %swap3A_361 = arith.constant 0 : index
      %swap3A_362 = vector.load %arg14[%swap3A_360, %swap3A_361] : memref<768x64xbf16, #tpu.memory_space<vmem>>, vector<64x64xbf16>
      tpu.vector_store %arg14[%swap3A_360, %swap3A_361], %convert_element_type3A_359 {strides = array<i32>} : memref<768x64xbf16, #tpu.memory_space<vmem>>, vector<64x64xbf16>,
      %broadcast_in_dim3A_363 = arith.constant 0.000000e+00 : f32
      %broadcast_in_dim3A_364 = vector.broadcast %broadcast_in_dim3A_363 : f32 to vector<768x64xf32>
      %swap3A_365 = arith.constant 0 : index
      %swap3A_366 = arith.constant 0 : index
      %swap3A_367 = vector.load %arg15[%swap3A_365, %swap3A_366] : memref<768x64xf32, #tpu.memory_space<vmem>>, vector<768x64xf32>
      tpu.vector_store %arg15[%swap3A_365, %swap3A_366], %broadcast_in_dim3A_364 {strides = array<i32>} : memref<768x64xf32, #tpu.memory_space<vmem>>, vector<768x64xf32>,
      %broadcast_in_dim3A_368 = arith.constant 0.000000e+00 : f32
      %broadcast_in_dim3A_369 = vector.broadcast %broadcast_in_dim3A_368 : f32 to vector<768x1xf32>
      %swap3A_370 = arith.constant 0 : index
      %swap3A_371 = arith.constant 0 : index
      %swap3A_372 = vector.load %arg16[%swap3A_370, %swap3A_371] : memref<768x128xf32, #tpu.memory_space<vmem>>, vector<768x1xf32>
      tpu.vector_store %arg16[%swap3A_370, %swap3A_371], %broadcast_in_dim3A_369 {strides = array<i32>} : memref<768x128xf32, #tpu.memory_space<vmem>>, vector<768x1xf32>,
      %broadcast_in_dim3A_373 = arith.constant 0.000000e+00 : f32
      %broadcast_in_dim3A_374 = vector.broadcast %broadcast_in_dim3A_373 : f32 to vector<768x1xf32>
      %swap3A_375 = arith.constant 0 : index
      %swap3A_376 = arith.constant 1 : index
      %swap3A_377 = vector.load %arg16[%swap3A_375, %swap3A_376] : memref<768x128xf32, #tpu.memory_space<vmem>>, vector<768x1xf32>
      tpu.vector_store %arg16[%swap3A_375, %swap3A_376], %broadcast_in_dim3A_374 {strides = array<i32>} : memref<768x128xf32, #tpu.memory_space<vmem>>, vector<768x1xf32>,
      %broadcast_in_dim3A_378 = arith.constant 0.000000e+00 : f32
      %broadcast_in_dim3A_379 = vector.broadcast %broadcast_in_dim3A_378 : f32 to vector<8x768xf32>
      %swap3A_380 = arith.constant 0 : index
      %swap3A_381 = arith.constant 0 : index
      %swap3A_382 = vector.load %arg17[%swap3A_380, %swap3A_381] : memref<8x768xf32, #tpu.memory_space<vmem>>, vector<8x768xf32>
      tpu.vector_store %arg17[%swap3A_380, %swap3A_381], %broadcast_in_dim3A_379 {strides = array<i32>} : memref<8x768xf32, #tpu.memory_space<vmem>>, vector<8x768xf32>,
      %broadcast_in_dim3A_383 = arith.constant 0.000000e+00 : f32
      %broadcast_in_dim3A_384 = vector.broadcast %broadcast_in_dim3A_383 : f32 to vector<768x1024xf32>
      %swap3A_385 = arith.constant 0 : index
      %swap3A_386 = arith.constant 0 : index
      %swap3A_387 = vector.load %arg18[%swap3A_385, %swap3A_386] : memref<768x1024xf32, #tpu.memory_space<vmem>>, vector<768x1024xf32>
      tpu.vector_store %arg18[%swap3A_385, %swap3A_386], %broadcast_in_dim3A_384 {strides = array<i32>} : memref<768x1024xf32, #tpu.memory_space<vmem>>, vector<768x1024xf32>,
      %broadcast_in_dim3A_388 = arith.constant 0.000000e+00 : bf16
      %broadcast_in_dim3A_389 = vector.broadcast %broadcast_in_dim3A_388 : bf16 to vector<1024x768xbf16>
      %swap3A_390 = arith.constant 0 : index
      %swap3A_391 = arith.constant 0 : index
      %swap3A_392 = vector.load %arg19[%swap3A_390, %swap3A_391] : memref<1024x768xbf16, #tpu.memory_space<vmem>>, vector<1024x768xbf16>
      tpu.vector_store %arg19[%swap3A_390, %swap3A_391], %broadcast_in_dim3A_389 {strides = array<i32>} : memref<1024x768xbf16, #tpu.memory_space<vmem>>, vector<1024x768xbf16>,
    } else {
    }
    %gt3A = arith.constant 0 : i32
    %gt3A_2 = arith.cmpi sgt, %arg1, %gt3A : i32
    %convert_element_type3A_3 = arith.extui %gt3A_2 : i1 to i32
    %convert_element_type3A_4 = arith.sitofp %convert_element_type3A_3 : i32 to f32
    %lt3A = arith.constant 8 : i32
    %lt3A_5 = arith.cmpi slt, %arg1, %lt3A : i32
    %convert_element_type3A_6 = arith.extui %lt3A_5 : i1 to i32
    %convert_element_type3A_7 = arith.sitofp %convert_element_type3A_6 : i32 to f32
    %get3A = arith.constant 0 : index
    %get3A_8 = arith.constant 0 : index
    %get3A_9 = vector.load %arg18[%get3A, %get3A_8] : memref<768x1024xf32, #tpu.memory_space<vmem>>, vector<768x1024xf32>
    %mul3A = arith.constant 1.250000e-01 : f32
    %mul3A_10 = arith.mulf %convert_element_type3A_4, %mul3A : f32
    %mul3A_11 = vector.broadcast %mul3A_10 : f32 to vector<768x1024xf32>
    %mul3A_12 = arith.mulf %get3A_9, %mul3A_11 : vector<768x1024xf32>
    %get3A_13 = arith.constant 0 : index
    %get3A_14 = arith.constant 0 : index
    %get3A_15 = vector.load %arg19[%get3A_13, %get3A_14] : memref<1024x768xbf16, #tpu.memory_space<vmem>>, vector<1024x768xbf16>
    %get3A_16 = arith.constant 0 : index
    %get3A_17 = arith.constant 0 : index
    %get3A_18 = vector.load %arg16[%get3A_16, %get3A_17] : memref<768x128xf32, #tpu.memory_space<vmem>>, vector<768x1xf32>
    %reduce_max3A = arith.constant dense<0xFF800000> : vector<768xf32>
    %reduce_max3A_19 = vector.multi_reduction <maximumf>, %mul3A_12, %reduce_max3A [1] : vector<768x1024xf32> to vector<768xf32>
    %broadcast_in_dim3A = vector.shape_cast %reduce_max3A_19 : vector<768xf32> to vector<768x1xf32>
    %max3A = arith.maximumf %get3A_18, %broadcast_in_dim3A : vector<768x1xf32>
    %sub3A = arith.subf %get3A_18, %max3A : vector<768x1xf32>
    %exp3A = math.exp %sub3A : vector<768x1xf32>
    %sub3A_20 = vector.broadcast %max3A : vector<768x1xf32> to vector<768x1024xf32>
    %sub3A_21 = arith.subf %mul3A_12, %sub3A_20 : vector<768x1024xf32>
    %exp3A_22 = math.exp %sub3A_21 : vector<768x1024xf32>
    %mul3A_23 = vector.broadcast %convert_element_type3A_4 : f32 to vector<768x1024xf32>
    %mul3A_24 = arith.mulf %exp3A_22, %mul3A_23 : vector<768x1024xf32>
    %get3A_25 = arith.constant 0 : index
    %get3A_26 = arith.constant 1 : index
    %get3A_27 = vector.load %arg16[%get3A_25, %get3A_26] : memref<768x128xf32, #tpu.memory_space<vmem>>, vector<768x1xf32>
    %mul3A_28 = arith.mulf %get3A_27, %exp3A : vector<768x1xf32>
    %reduce_sum3A = arith.constant dense<0.000000e+00> : vector<768xf32>
    %reduce_sum3A_29 = vector.multi_reduction <add>, %mul3A_24, %reduce_sum3A [1] : vector<768x1024xf32> to vector<768xf32>
    %broadcast_in_dim3A_30 = vector.shape_cast %reduce_sum3A_29 : vector<768xf32> to vector<768x1xf32>
    %add3A = arith.addf %mul3A_28, %broadcast_in_dim3A_30 : vector<768x1xf32>
    %swap3A = arith.constant 0 : index
    %swap3A_31 = arith.constant 1 : index
    %swap3A_32 = vector.load %arg16[%swap3A, %swap3A_31] : memref<768x128xf32, #tpu.memory_space<vmem>>, vector<768x1xf32>
    tpu.vector_store %arg16[%swap3A, %swap3A_31], %add3A {strides = array<i32>} : memref<768x128xf32, #tpu.memory_space<vmem>>, vector<768x1xf32>,
    %swap3A_33 = arith.constant 0 : index
    %swap3A_34 = arith.constant 0 : index
    %swap3A_35 = vector.load %arg16[%swap3A_33, %swap3A_34] : memref<768x128xf32, #tpu.memory_space<vmem>>, vector<768x1xf32>
    tpu.vector_store %arg16[%swap3A_33, %swap3A_34], %max3A {strides = array<i32>} : memref<768x128xf32, #tpu.memory_space<vmem>>, vector<768x1xf32>,
    %convert_element_type3A_36 = arith.truncf %mul3A_24 : vector<768x1024xf32> to vector<768x1024xbf16>
    %slice3A = vector.extract_strided_slice %convert_element_type3A_36 {offsets = [0, 0], sizes = [64, 1024], strides = [1, 1]} : vector<768x1024xbf16> to vector<64x1024xbf16>
    %slice3A_37 = vector.extract_strided_slice %get3A_15 {offsets = [0, 0], sizes = [1024, 64], strides = [1, 1]} : vector<1024x768xbf16> to vector<1024x64xbf16>
    %dot_general3A = arith.constant dense<0.000000e+00> : vector<64x64xf32>
    %dot_general3A_38 = tpu.matmul %slice3A, %slice3A_37, %dot_general3A {dimension_numbers = #tpu.dot_dimension_numbers<[1], [0], [0], [1], [0, 0, 1, 1], [], []>, transpose_lhs_hint = false} : vector<64x1024xbf16>, vector<1024x64xbf16>, vector<64x64xf32> -> vector<64x64xf32>
    %slice3A_39 = vector.extract_strided_slice %convert_element_type3A_36 {offsets = [64, 0], sizes = [64, 1024], strides = [1, 1]} : vector<768x1024xbf16> to vector<64x1024xbf16>
    %slice3A_40 = vector.extract_strided_slice %get3A_15 {offsets = [0, 64], sizes = [1024, 64], strides = [1, 1]} : vector<1024x768xbf16> to vector<1024x64xbf16>
    %dot_general3A_41 = arith.constant dense<0.000000e+00> : vector<64x64xf32>
    %dot_general3A_42 = tpu.matmul %slice3A_39, %slice3A_40, %dot_general3A_41 {dimension_numbers = #tpu.dot_dimension_numbers<[1], [0], [0], [1], [0, 0, 1, 1], [], []>, transpose_lhs_hint = false} : vector<64x1024xbf16>, vector<1024x64xbf16>, vector<64x64xf32> -> vector<64x64xf32>
    %slice3A_43 = vector.extract_strided_slice %convert_element_type3A_36 {offsets = [128, 0], sizes = [64, 1024], strides = [1, 1]} : vector<768x1024xbf16> to vector<64x1024xbf16>
    %slice3A_44 = vector.extract_strided_slice %get3A_15 {offsets = [0, 128], sizes = [1024, 64], strides = [1, 1]} : vector<1024x768xbf16> to vector<1024x64xbf16>
    %dot_general3A_45 = arith.constant dense<0.000000e+00> : vector<64x64xf32>
    %dot_general3A_46 = tpu.matmul %slice3A_43, %slice3A_44, %dot_general3A_45 {dimension_numbers = #tpu.dot_dimension_numbers<[1], [0], [0], [1], [0, 0, 1, 1], [], []>, transpose_lhs_hint = false} : vector<64x1024xbf16>, vector<1024x64xbf16>, vector<64x64xf32> -> vector<64x64xf32>
    %slice3A_47 = vector.extract_strided_slice %convert_element_type3A_36 {offsets = [192, 0], sizes = [64, 1024], strides = [1, 1]} : vector<768x1024xbf16> to vector<64x1024xbf16>
    %slice3A_48 = vector.extract_strided_slice %get3A_15 {offsets = [0, 192], sizes = [1024, 64], strides = [1, 1]} : vector<1024x768xbf16> to vector<1024x64xbf16>
    %dot_general3A_49 = arith.constant dense<0.000000e+00> : vector<64x64xf32>
    %dot_general3A_50 = tpu.matmul %slice3A_47, %slice3A_48, %dot_general3A_49 {dimension_numbers = #tpu.dot_dimension_numbers<[1], [0], [0], [1], [0, 0, 1, 1], [], []>, transpose_lhs_hint = false} : vector<64x1024xbf16>, vector<1024x64xbf16>, vector<64x64xf32> -> vector<64x64xf32>
    %slice3A_51 = vector.extract_strided_slice %convert_element_type3A_36 {offsets = [256, 0], sizes = [64, 1024], strides = [1, 1]} : vector<768x1024xbf16> to vector<64x1024xbf16>
    %slice3A_52 = vector.extract_strided_slice %get3A_15 {offsets = [0, 256], sizes = [1024, 64], strides = [1, 1]} : vector<1024x768xbf16> to vector<1024x64xbf16>
    %dot_general3A_53 = arith.constant dense<0.000000e+00> : vector<64x64xf32>
    %dot_general3A_54 = tpu.matmul %slice3A_51, %slice3A_52, %dot_general3A_53 {dimension_numbers = #tpu.dot_dimension_numbers<[1], [0], [0], [1], [0, 0, 1, 1], [], []>, transpose_lhs_hint = false} : vector<64x1024xbf16>, vector<1024x64xbf16>, vector<64x64xf32> -> vector<64x64xf32>
    %slice3A_55 = vector.extract_strided_slice %convert_element_type3A_36 {offsets = [320, 0], sizes = [64, 1024], strides = [1, 1]} : vector<768x1024xbf16> to vector<64x1024xbf16>
    %slice3A_56 = vector.extract_strided_slice %get3A_15 {offsets = [0, 320], sizes = [1024, 64], strides = [1, 1]} : vector<1024x768xbf16> to vector<1024x64xbf16>
    %dot_general3A_57 = arith.constant dense<0.000000e+00> : vector<64x64xf32>
    %dot_general3A_58 = tpu.matmul %slice3A_55, %slice3A_56, %dot_general3A_57 {dimension_numbers = #tpu.dot_dimension_numbers<[1], [0], [0], [1], [0, 0, 1, 1], [], []>, transpose_lhs_hint = false} : vector<64x1024xbf16>, vector<1024x64xbf16>, vector<64x64xf32> -> vector<64x64xf32>
    %slice3A_59 = vector.extract_strided_slice %convert_element_type3A_36 {offsets = [384, 0], sizes = [64, 1024], strides = [1, 1]} : vector<768x1024xbf16> to vector<64x1024xbf16>
    %slice3A_60 = vector.extract_strided_slice %get3A_15 {offsets = [0, 384], sizes = [1024, 64], strides = [1, 1]} : vector<1024x768xbf16> to vector<1024x64xbf16>
    %dot_general3A_61 = arith.constant dense<0.000000e+00> : vector<64x64xf32>
    %dot_general3A_62 = tpu.matmul %slice3A_59, %slice3A_60, %dot_general3A_61 {dimension_numbers = #tpu.dot_dimension_numbers<[1], [0], [0], [1], [0, 0, 1, 1], [], []>, transpose_lhs_hint = false} : vector<64x1024xbf16>, vector<1024x64xbf16>, vector<64x64xf32> -> vector<64x64xf32>
    %slice3A_63 = vector.extract_strided_slice %convert_element_type3A_36 {offsets = [448, 0], sizes = [64, 1024], strides = [1, 1]} : vector<768x1024xbf16> to vector<64x1024xbf16>
    %slice3A_64 = vector.extract_strided_slice %get3A_15 {offsets = [0, 448], sizes = [1024, 64], strides = [1, 1]} : vector<1024x768xbf16> to vector<1024x64xbf16>
    %dot_general3A_65 = arith.constant dense<0.000000e+00> : vector<64x64xf32>
    %dot_general3A_66 = tpu.matmul %slice3A_63, %slice3A_64, %dot_general3A_65 {dimension_numbers = #tpu.dot_dimension_numbers<[1], [0], [0], [1], [0, 0, 1, 1], [], []>, transpose_lhs_hint = false} : vector<64x1024xbf16>, vector<1024x64xbf16>, vector<64x64xf32> -> vector<64x64xf32>
    %slice3A_67 = vector.extract_strided_slice %convert_element_type3A_36 {offsets = [512, 0], sizes = [64, 1024], strides = [1, 1]} : vector<768x1024xbf16> to vector<64x1024xbf16>
    %slice3A_68 = vector.extract_strided_slice %get3A_15 {offsets = [0, 512], sizes = [1024, 64], strides = [1, 1]} : vector<1024x768xbf16> to vector<1024x64xbf16>
    %dot_general3A_69 = arith.constant dense<0.000000e+00> : vector<64x64xf32>
    %dot_general3A_70 = tpu.matmul %slice3A_67, %slice3A_68, %dot_general3A_69 {dimension_numbers = #tpu.dot_dimension_numbers<[1], [0], [0], [1], [0, 0, 1, 1], [], []>, transpose_lhs_hint = false} : vector<64x1024xbf16>, vector<1024x64xbf16>, vector<64x64xf32> -> vector<64x64xf32>
    %slice3A_71 = vector.extract_strided_slice %convert_element_type3A_36 {offsets = [576, 0], sizes = [64, 1024], strides = [1, 1]} : vector<768x1024xbf16> to vector<64x1024xbf16>
    %slice3A_72 = vector.extract_strided_slice %get3A_15 {offsets = [0, 576], sizes = [1024, 64], strides = [1, 1]} : vector<1024x768xbf16> to vector<1024x64xbf16>
    %dot_general3A_73 = arith.constant dense<0.000000e+00> : vector<64x64xf32>
    %dot_general3A_74 = tpu.matmul %slice3A_71, %slice3A_72, %dot_general3A_73 {dimension_numbers = #tpu.dot_dimension_numbers<[1], [0], [0], [1], [0, 0, 1, 1], [], []>, transpose_lhs_hint = false} : vector<64x1024xbf16>, vector<1024x64xbf16>, vector<64x64xf32> -> vector<64x64xf32>
    %slice3A_75 = vector.extract_strided_slice %convert_element_type3A_36 {offsets = [640, 0], sizes = [64, 1024], strides = [1, 1]} : vector<768x1024xbf16> to vector<64x1024xbf16>
    %slice3A_76 = vector.extract_strided_slice %get3A_15 {offsets = [0, 640], sizes = [1024, 64], strides = [1, 1]} : vector<1024x768xbf16> to vector<1024x64xbf16>
    %dot_general3A_77 = arith.constant dense<0.000000e+00> : vector<64x64xf32>
    %dot_general3A_78 = tpu.matmul %slice3A_75, %slice3A_76, %dot_general3A_77 {dimension_numbers = #tpu.dot_dimension_numbers<[1], [0], [0], [1], [0, 0, 1, 1], [], []>, transpose_lhs_hint = false} : vector<64x1024xbf16>, vector<1024x64xbf16>, vector<64x64xf32> -> vector<64x64xf32>
    %slice3A_79 = vector.extract_strided_slice %convert_element_type3A_36 {offsets = [704, 0], sizes = [64, 1024], strides = [1, 1]} : vector<768x1024xbf16> to vector<64x1024xbf16>
    %slice3A_80 = vector.extract_strided_slice %get3A_15 {offsets = [0, 704], sizes = [1024, 64], strides = [1, 1]} : vector<1024x768xbf16> to vector<1024x64xbf16>
    %dot_general3A_81 = arith.constant dense<0.000000e+00> : vector<64x64xf32>
    %dot_general3A_82 = tpu.matmul %slice3A_79, %slice3A_80, %dot_general3A_81 {dimension_numbers = #tpu.dot_dimension_numbers<[1], [0], [0], [1], [0, 0, 1, 1], [], []>, transpose_lhs_hint = false} : vector<64x1024xbf16>, vector<1024x64xbf16>, vector<64x64xf32> -> vector<64x64xf32>
    %get3A_83 = arith.constant 0 : index
    %get3A_84 = arith.constant 0 : index
    %get3A_85 = vector.load %arg15[%get3A_83, %get3A_84] : memref<768x64xf32, #tpu.memory_space<vmem>>, vector<768x64xf32>
    %mul3A_86 = vector.broadcast %exp3A : vector<768x1xf32> to vector<768x64xf32>
    %mul3A_87 = arith.mulf %get3A_85, %mul3A_86 : vector<768x64xf32>
    %concatenate3A = tpu.concatenate %dot_general3A_38, %dot_general3A_42, %dot_general3A_46, %dot_general3A_50, %dot_general3A_54, %dot_general3A_58, %dot_general3A_62, %dot_general3A_66, %dot_general3A_70, %dot_general3A_74, %dot_general3A_78, %dot_general3A_82 in 0 : vector<64x64xf32>, vector<64x64xf32>, vector<64x64xf32>, vector<64x64xf32>, vector<64x64xf32>, vector<64x64xf32>, vector<64x64xf32>, vector<64x64xf32>, vector<64x64xf32>, vector<64x64xf32>, vector<64x64xf32>, vector<64x64xf32> -> vector<768x64xf32>
    %add3A_88 = arith.addf %mul3A_87, %concatenate3A : vector<768x64xf32>
    %swap3A_89 = arith.constant 0 : index
    %swap3A_90 = arith.constant 0 : index
    %swap3A_91 = vector.load %arg15[%swap3A_89, %swap3A_90] : memref<768x64xf32, #tpu.memory_space<vmem>>, vector<768x64xf32>
    tpu.vector_store %arg15[%swap3A_89, %swap3A_90], %add3A_88 {strides = array<i32>} : memref<768x64xf32, #tpu.memory_space<vmem>>, vector<768x64xf32>,
    %get3A_92 = arith.constant 0 : index
    %get3A_93 = arith.constant 0 : index
    %get3A_94 = arith.constant 0 : index
    %get3A_95 = vector.load %arg2[%get3A_92, %get3A_93, %get3A_94] : memref<1x1024x768xf32, #tpu.memory_space<vmem>>, vector<1x1024x768xf32>
    %get3A_96 = vector.shape_cast %get3A_95 : vector<1x1024x768xf32> to vector<1024x768xf32>
    %convert_element_type3A_97 = arith.truncf %get3A_96 : vector<1024x768xf32> to vector<1024x768xbf16>
    %get3A_98 = arith.constant 0 : index
    %get3A_99 = arith.constant 0 : index
    %get3A_100 = vector.load %arg5[%get3A_98, %get3A_99] : memref<768x768xf32, #tpu.memory_space<vmem>>, vector<768x768xf32>
    %convert_element_type3A_101 = arith.truncf %get3A_100 : vector<768x768xf32> to vector<768x768xbf16>
    %dot_general3A_102 = arith.constant dense<0.000000e+00> : vector<1024x768xf32>
    %dot_general3A_103 = tpu.matmul %convert_element_type3A_97, %convert_element_type3A_101, %dot_general3A_102 {dimension_numbers = #tpu.dot_dimension_numbers<[1], [1], [0], [0], [0, 0, 1, 0], [], []>, transpose_lhs_hint = false} : vector<1024x768xbf16>, vector<768x768xbf16>, vector<1024x768xf32> -> vector<1024x768xf32>
    %get3A_104 = arith.constant 0 : index
    %get3A_105 = arith.constant 0 : index
    %get3A_106 = vector.load %arg9[%get3A_104, %get3A_105] : memref<1x768xf32, #tpu.memory_space<vmem>>, vector<1x768xf32>
    %add3A_107 = vector.broadcast %get3A_106 : vector<1x768xf32> to vector<1024x768xf32>
    %add3A_108 = arith.addf %dot_general3A_103, %add3A_107 : vector<1024x768xf32>
    %convert_element_type3A_109 = arith.truncf %add3A_108 : vector<1024x768xf32> to vector<1024x768xbf16>
    %get3A_110 = arith.constant 0 : index
    %get3A_111 = arith.constant 0 : index
    %get3A_112 = vector.load %arg6[%get3A_110, %get3A_111] : memref<768x768xf32, #tpu.memory_space<vmem>>, vector<768x768xf32>
    %convert_element_type3A_113 = arith.truncf %get3A_112 : vector<768x768xf32> to vector<768x768xbf16>
    %dot_general3A_114 = arith.constant dense<0.000000e+00> : vector<1024x768xf32>
    %dot_general3A_115 = tpu.matmul %convert_element_type3A_97, %convert_element_type3A_113, %dot_general3A_114 {dimension_numbers = #tpu.dot_dimension_numbers<[1], [1], [0], [0], [0, 0, 1, 0], [], []>, transpose_lhs_hint = false} : vector<1024x768xbf16>, vector<768x768xbf16>, vector<1024x768xf32> -> vector<1024x768xf32>
    %get3A_116 = arith.constant 0 : index
    %get3A_117 = arith.constant 0 : index
    %get3A_118 = vector.load %arg10[%get3A_116, %get3A_117] : memref<1x768xf32, #tpu.memory_space<vmem>>, vector<1x768xf32>
    %add3A_119 = vector.broadcast %get3A_118 : vector<1x768xf32> to vector<1024x768xf32>
    %add3A_120 = arith.addf %dot_general3A_115, %add3A_119 : vector<1024x768xf32>
    %convert_element_type3A_121 = arith.truncf %add3A_120 : vector<1024x768xf32> to vector<1024x768xbf16>
    %swap3A_122 = arith.constant 0 : index
    %swap3A_123 = arith.constant 0 : index
    %swap3A_124 = vector.load %arg19[%swap3A_122, %swap3A_123] : memref<1024x768xbf16, #tpu.memory_space<vmem>>, vector<1024x768xbf16>
    tpu.vector_store %arg19[%swap3A_122, %swap3A_123], %convert_element_type3A_121 {strides = array<i32>} : memref<1024x768xbf16, #tpu.memory_space<vmem>>, vector<1024x768xbf16>,
    %get3A_125 = arith.constant 0 : index
    %get3A_126 = arith.constant 0 : index
    %get3A_127 = vector.load %arg17[%get3A_125, %get3A_126] : memref<8x768xf32, #tpu.memory_space<vmem>>, vector<1x768xf32>
    %reduce_sum3A_128 = arith.constant dense<0.000000e+00> : vector<768xf32>
    %reduce_sum3A_129 = vector.multi_reduction <add>, %add3A_120, %reduce_sum3A_128 [0] : vector<1024x768xf32> to vector<768xf32>
    %broadcast_in_dim3A_130 = vector.shape_cast %reduce_sum3A_129 : vector<768xf32> to vector<1x768xf32>
    %mul3A_131 = vector.broadcast %convert_element_type3A_7 : f32 to vector<1x768xf32>
    %mul3A_132 = arith.mulf %mul3A_131, %broadcast_in_dim3A_130 : vector<1x768xf32>
    %add3A_133 = arith.addf %get3A_127, %mul3A_132 : vector<1x768xf32>
    %swap3A_134 = arith.constant 0 : index
    %swap3A_135 = arith.constant 0 : index
    %swap3A_136 = vector.load %arg17[%swap3A_134, %swap3A_135] : memref<8x768xf32, #tpu.memory_space<vmem>>, vector<1x768xf32>
    tpu.vector_store %arg17[%swap3A_134, %swap3A_135], %add3A_133 {strides = array<i32>} : memref<8x768xf32, #tpu.memory_space<vmem>>, vector<1x768xf32>,
    %get3A_137 = arith.constant 0 : index
    %get3A_138 = arith.constant 0 : index
    %get3A_139 = vector.load %arg14[%get3A_137, %get3A_138] : memref<768x64xbf16, #tpu.memory_space<vmem>>, vector<768x64xbf16>
    %slice3A_140 = vector.extract_strided_slice %get3A_139 {offsets = [0, 0], sizes = [64, 64], strides = [1, 1]} : vector<768x64xbf16> to vector<64x64xbf16>
    %slice3A_141 = vector.extract_strided_slice %convert_element_type3A_109 {offsets = [0, 0], sizes = [1024, 64], strides = [1, 1]} : vector<1024x768xbf16> to vector<1024x64xbf16>
    %dot_general3A_142 = arith.constant dense<0.000000e+00> : vector<64x1024xf32>
    %dot_general3A_143 = tpu.matmul %slice3A_140, %slice3A_141, %dot_general3A_142 {dimension_numbers = #tpu.dot_dimension_numbers<[1], [1], [0], [0], [0, 0, 1, 0], [], []>, transpose_lhs_hint = false} : vector<64x64xbf16>, vector<1024x64xbf16>, vector<64x1024xf32> -> vector<64x1024xf32>
    %slice3A_144 = vector.extract_strided_slice %get3A_139 {offsets = [64, 0], sizes = [64, 64], strides = [1, 1]} : vector<768x64xbf16> to vector<64x64xbf16>
    %slice3A_145 = vector.extract_strided_slice %convert_element_type3A_109 {offsets = [0, 64], sizes = [1024, 64], strides = [1, 1]} : vector<1024x768xbf16> to vector<1024x64xbf16>
    %dot_general3A_146 = arith.constant dense<0.000000e+00> : vector<64x1024xf32>
    %dot_general3A_147 = tpu.matmul %slice3A_144, %slice3A_145, %dot_general3A_146 {dimension_numbers = #tpu.dot_dimension_numbers<[1], [1], [0], [0], [0, 0, 1, 0], [], []>, transpose_lhs_hint = false} : vector<64x64xbf16>, vector<1024x64xbf16>, vector<64x1024xf32> -> vector<64x1024xf32>
    %slice3A_148 = vector.extract_strided_slice %get3A_139 {offsets = [128, 0], sizes = [64, 64], strides = [1, 1]} : vector<768x64xbf16> to vector<64x64xbf16>
    %slice3A_149 = vector.extract_strided_slice %convert_element_type3A_109 {offsets = [0, 128], sizes = [1024, 64], strides = [1, 1]} : vector<1024x768xbf16> to vector<1024x64xbf16>
    %dot_general3A_150 = arith.constant dense<0.000000e+00> : vector<64x1024xf32>
    %dot_general3A_151 = tpu.matmul %slice3A_148, %slice3A_149, %dot_general3A_150 {dimension_numbers = #tpu.dot_dimension_numbers<[1], [1], [0], [0], [0, 0, 1, 0], [], []>, transpose_lhs_hint = false} : vector<64x64xbf16>, vector<1024x64xbf16>, vector<64x1024xf32> -> vector<64x1024xf32>
    %slice3A_152 = vector.extract_strided_slice %get3A_139 {offsets = [192, 0], sizes = [64, 64], strides = [1, 1]} : vector<768x64xbf16> to vector<64x64xbf16>
    %slice3A_153 = vector.extract_strided_slice %convert_element_type3A_109 {offsets = [0, 192], sizes = [1024, 64], strides = [1, 1]} : vector<1024x768xbf16> to vector<1024x64xbf16>
    %dot_general3A_154 = arith.constant dense<0.000000e+00> : vector<64x1024xf32>
    %dot_general3A_155 = tpu.matmul %slice3A_152, %slice3A_153, %dot_general3A_154 {dimension_numbers = #tpu.dot_dimension_numbers<[1], [1], [0], [0], [0, 0, 1, 0], [], []>, transpose_lhs_hint = false} : vector<64x64xbf16>, vector<1024x64xbf16>, vector<64x1024xf32> -> vector<64x1024xf32>
    %slice3A_156 = vector.extract_strided_slice %get3A_139 {offsets = [256, 0], sizes = [64, 64], strides = [1, 1]} : vector<768x64xbf16> to vector<64x64xbf16>
    %slice3A_157 = vector.extract_strided_slice %convert_element_type3A_109 {offsets = [0, 256], sizes = [1024, 64], strides = [1, 1]} : vector<1024x768xbf16> to vector<1024x64xbf16>
    %dot_general3A_158 = arith.constant dense<0.000000e+00> : vector<64x1024xf32>
    %dot_general3A_159 = tpu.matmul %slice3A_156, %slice3A_157, %dot_general3A_158 {dimension_numbers = #tpu.dot_dimension_numbers<[1], [1], [0], [0], [0, 0, 1, 0], [], []>, transpose_lhs_hint = false} : vector<64x64xbf16>, vector<1024x64xbf16>, vector<64x1024xf32> -> vector<64x1024xf32>
    %slice3A_160 = vector.extract_strided_slice %get3A_139 {offsets = [320, 0], sizes = [64, 64], strides = [1, 1]} : vector<768x64xbf16> to vector<64x64xbf16>
    %slice3A_161 = vector.extract_strided_slice %convert_element_type3A_109 {offsets = [0, 320], sizes = [1024, 64], strides = [1, 1]} : vector<1024x768xbf16> to vector<1024x64xbf16>
    %dot_general3A_162 = arith.constant dense<0.000000e+00> : vector<64x1024xf32>
    %dot_general3A_163 = tpu.matmul %slice3A_160, %slice3A_161, %dot_general3A_162 {dimension_numbers = #tpu.dot_dimension_numbers<[1], [1], [0], [0], [0, 0, 1, 0], [], []>, transpose_lhs_hint = false} : vector<64x64xbf16>, vector<1024x64xbf16>, vector<64x1024xf32> -> vector<64x1024xf32>
    %slice3A_164 = vector.extract_strided_slice %get3A_139 {offsets = [384, 0], sizes = [64, 64], strides = [1, 1]} : vector<768x64xbf16> to vector<64x64xbf16>
    %slice3A_165 = vector.extract_strided_slice %convert_element_type3A_109 {offsets = [0, 384], sizes = [1024, 64], strides = [1, 1]} : vector<1024x768xbf16> to vector<1024x64xbf16>
    %dot_general3A_166 = arith.constant dense<0.000000e+00> : vector<64x1024xf32>
    %dot_general3A_167 = tpu.matmul %slice3A_164, %slice3A_165, %dot_general3A_166 {dimension_numbers = #tpu.dot_dimension_numbers<[1], [1], [0], [0], [0, 0, 1, 0], [], []>, transpose_lhs_hint = false} : vector<64x64xbf16>, vector<1024x64xbf16>, vector<64x1024xf32> -> vector<64x1024xf32>
    %slice3A_168 = vector.extract_strided_slice %get3A_139 {offsets = [448, 0], sizes = [64, 64], strides = [1, 1]} : vector<768x64xbf16> to vector<64x64xbf16>
    %slice3A_169 = vector.extract_strided_slice %convert_element_type3A_109 {offsets = [0, 448], sizes = [1024, 64], strides = [1, 1]} : vector<1024x768xbf16> to vector<1024x64xbf16>
    %dot_general3A_170 = arith.constant dense<0.000000e+00> : vector<64x1024xf32>
    %dot_general3A_171 = tpu.matmul %slice3A_168, %slice3A_169, %dot_general3A_170 {dimension_numbers = #tpu.dot_dimension_numbers<[1], [1], [0], [0], [0, 0, 1, 0], [], []>, transpose_lhs_hint = false} : vector<64x64xbf16>, vector<1024x64xbf16>, vector<64x1024xf32> -> vector<64x1024xf32>
    %slice3A_172 = vector.extract_strided_slice %get3A_139 {offsets = [512, 0], sizes = [64, 64], strides = [1, 1]} : vector<768x64xbf16> to vector<64x64xbf16>
    %slice3A_173 = vector.extract_strided_slice %convert_element_type3A_109 {offsets = [0, 512], sizes = [1024, 64], strides = [1, 1]} : vector<1024x768xbf16> to vector<1024x64xbf16>
    %dot_general3A_174 = arith.constant dense<0.000000e+00> : vector<64x1024xf32>
    %dot_general3A_175 = tpu.matmul %slice3A_172, %slice3A_173, %dot_general3A_174 {dimension_numbers = #tpu.dot_dimension_numbers<[1], [1], [0], [0], [0, 0, 1, 0], [], []>, transpose_lhs_hint = false} : vector<64x64xbf16>, vector<1024x64xbf16>, vector<64x1024xf32> -> vector<64x1024xf32>
    %slice3A_176 = vector.extract_strided_slice %get3A_139 {offsets = [576, 0], sizes = [64, 64], strides = [1, 1]} : vector<768x64xbf16> to vector<64x64xbf16>
    %slice3A_177 = vector.extract_strided_slice %convert_element_type3A_109 {offsets = [0, 576], sizes = [1024, 64], strides = [1, 1]} : vector<1024x768xbf16> to vector<1024x64xbf16>
    %dot_general3A_178 = arith.constant dense<0.000000e+00> : vector<64x1024xf32>
    %dot_general3A_179 = tpu.matmul %slice3A_176, %slice3A_177, %dot_general3A_178 {dimension_numbers = #tpu.dot_dimension_numbers<[1], [1], [0], [0], [0, 0, 1, 0], [], []>, transpose_lhs_hint = false} : vector<64x64xbf16>, vector<1024x64xbf16>, vector<64x1024xf32> -> vector<64x1024xf32>
    %slice3A_180 = vector.extract_strided_slice %get3A_139 {offsets = [640, 0], sizes = [64, 64], strides = [1, 1]} : vector<768x64xbf16> to vector<64x64xbf16>
    %slice3A_181 = vector.extract_strided_slice %convert_element_type3A_109 {offsets = [0, 640], sizes = [1024, 64], strides = [1, 1]} : vector<1024x768xbf16> to vector<1024x64xbf16>
    %dot_general3A_182 = arith.constant dense<0.000000e+00> : vector<64x1024xf32>
    %dot_general3A_183 = tpu.matmul %slice3A_180, %slice3A_181, %dot_general3A_182 {dimension_numbers = #tpu.dot_dimension_numbers<[1], [1], [0], [0], [0, 0, 1, 0], [], []>, transpose_lhs_hint = false} : vector<64x64xbf16>, vector<1024x64xbf16>, vector<64x1024xf32> -> vector<64x1024xf32>
    %slice3A_184 = vector.extract_strided_slice %get3A_139 {offsets = [704, 0], sizes = [64, 64], strides = [1, 1]} : vector<768x64xbf16> to vector<64x64xbf16>
    %slice3A_185 = vector.extract_strided_slice %convert_element_type3A_109 {offsets = [0, 704], sizes = [1024, 64], strides = [1, 1]} : vector<1024x768xbf16> to vector<1024x64xbf16>
    %dot_general3A_186 = arith.constant dense<0.000000e+00> : vector<64x1024xf32>
    %dot_general3A_187 = tpu.matmul %slice3A_184, %slice3A_185, %dot_general3A_186 {dimension_numbers = #tpu.dot_dimension_numbers<[1], [1], [0], [0], [0, 0, 1, 0], [], []>, transpose_lhs_hint = false} : vector<64x64xbf16>, vector<1024x64xbf16>, vector<64x1024xf32> -> vector<64x1024xf32>
    %concatenate3A_188 = tpu.concatenate %dot_general3A_143, %dot_general3A_147, %dot_general3A_151, %dot_general3A_155, %dot_general3A_159, %dot_general3A_163, %dot_general3A_167, %dot_general3A_171, %dot_general3A_175, %dot_general3A_179, %dot_general3A_183, %dot_general3A_187 in 0 : vector<64x1024xf32>, vector<64x1024xf32>, vector<64x1024xf32>, vector<64x1024xf32>, vector<64x1024xf32>, vector<64x1024xf32>, vector<64x1024xf32>, vector<64x1024xf32>, vector<64x1024xf32>, vector<64x1024xf32>, vector<64x1024xf32>, vector<64x1024xf32> -> vector<768x1024xf32>
    %swap3A_189 = arith.constant 0 : index
    %swap3A_190 = arith.constant 0 : index
    %swap3A_191 = vector.load %arg18[%swap3A_189, %swap3A_190] : memref<768x1024xf32, #tpu.memory_space<vmem>>, vector<768x1024xf32>
    tpu.vector_store %arg18[%swap3A_189, %swap3A_190], %concatenate3A_188 {strides = array<i32>} : memref<768x1024xf32, #tpu.memory_space<vmem>>, vector<768x1024xf32>,
    %eq3A_192 = arith.constant 8 : i32
    %eq3A_193 = arith.cmpi eq, %arg1, %eq3A_192 : i32
    %convert_element_type3A_194 = arith.extui %eq3A_193 : i1 to i32
    %cond3A_195 = arith.constant 0 : i32
    %cond3A_196 = arith.cmpi ne, %convert_element_type3A_194, %cond3A_195 : i32
    scf.if %cond3A_196 {
      %get3A_197 = arith.constant 0 : index
      %get3A_198 = arith.constant 0 : index
      %get3A_199 = vector.load %arg17[%get3A_197, %get3A_198] : memref<8x768xf32, #tpu.memory_space<vmem>>, vector<1x768xf32>
      %mul3A_200 = arith.constant 1.22070313E-4 : f32
      %mul3A_201 = vector.broadcast %mul3A_200 : f32 to vector<1x768xf32>
      %mul3A_202 = arith.mulf %get3A_199, %mul3A_201 : vector<1x768xf32>
      %get3A_203 = arith.constant 0 : index
      %get3A_204 = arith.constant 0 : index
      %get3A_205 = vector.load %arg15[%get3A_203, %get3A_204] : memref<768x64xf32, #tpu.memory_space<vmem>>, vector<768x64xf32>
      %get3A_206 = arith.constant 0 : index
      %get3A_207 = arith.constant 1 : index
      %get3A_208 = vector.load %arg16[%get3A_206, %get3A_207] : memref<768x128xf32, #tpu.memory_space<vmem>>, vector<768x1xf32>
      %div3A = vector.broadcast %get3A_208 : vector<768x1xf32> to vector<768x64xf32>
      %div3A_209 = arith.divf %get3A_205, %div3A : vector<768x64xf32>
      %slice3A_210 = vector.extract_strided_slice %div3A_209 {offsets = [0, 0], sizes = [64, 64], strides = [1, 1]} : vector<768x64xf32> to vector<64x64xf32>
      %slice3A_211 = vector.extract_strided_slice %mul3A_202 {offsets = [0, 0], sizes = [1, 64], strides = [1, 1]} : vector<1x768xf32> to vector<1x64xf32>
      %sub3A_212 = vector.broadcast %slice3A_211 : vector<1x64xf32> to vector<64x64xf32>
      %sub3A_213 = arith.subf %slice3A_210, %sub3A_212 : vector<64x64xf32>
      %get3A_214 = arith.constant 0 : index
      %get3A_215 = arith.constant 0 : index
      %get3A_216 = vector.load %arg7[%get3A_214, %get3A_215] : memref<768x768xf32, #tpu.memory_space<vmem>>, vector<768x64xf32>
      %dot_general3A_217 = arith.constant dense<0.000000e+00> : vector<64x768xf32>
      %dot_general3A_218 = tpu.matmul %sub3A_213, %get3A_216, %dot_general3A_217 {dimension_numbers = #tpu.dot_dimension_numbers<[1], [1], [0], [0], [0, 0, 1, 0], [], []>, precision = #tpu.contract_precision<fp32>, transpose_lhs_hint = false} : vector<64x64xf32>, vector<768x64xf32>, vector<64x768xf32> -> vector<64x768xf32>
      %convert_element_type3A_219 = arith.truncf %dot_general3A_218 : vector<64x768xf32> to vector<64x768xbf16>
      %swap3A_220 = arith.constant 0 : index
      %swap3A_221 = arith.constant 0 : index
      %swap3A_222 = arith.constant 0 : index
      %swap3A_223 = vector.load %arg12[%swap3A_220, %swap3A_221, %swap3A_222] : memref<1x768x768xbf16, #tpu.memory_space<vmem>>, vector<1x64x768xbf16>
      %swap3A_224 = vector.shape_cast %swap3A_223 : vector<1x64x768xbf16> to vector<64x768xbf16>
      %swap3A_225 = vector.shape_cast %convert_element_type3A_219 : vector<64x768xbf16> to vector<1x64x768xbf16>
      tpu.vector_store %arg12[%swap3A_220, %swap3A_221, %swap3A_222], %swap3A_225 {strides = array<i32>} : memref<1x768x768xbf16, #tpu.memory_space<vmem>>, vector<1x64x768xbf16>,
      %slice3A_226 = vector.extract_strided_slice %div3A_209 {offsets = [64, 0], sizes = [64, 64], strides = [1, 1]} : vector<768x64xf32> to vector<64x64xf32>
      %slice3A_227 = vector.extract_strided_slice %mul3A_202 {offsets = [0, 64], sizes = [1, 64], strides = [1, 1]} : vector<1x768xf32> to vector<1x64xf32>
      %sub3A_228 = vector.broadcast %slice3A_227 : vector<1x64xf32> to vector<64x64xf32>
      %sub3A_229 = arith.subf %slice3A_226, %sub3A_228 : vector<64x64xf32>
      %get3A_230 = arith.constant 0 : index
      %get3A_231 = arith.constant 64 : index
      %get3A_232 = vector.load %arg7[%get3A_230, %get3A_231] : memref<768x768xf32, #tpu.memory_space<vmem>>, vector<768x64xf32>
      %dot_general3A_233 = arith.constant dense<0.000000e+00> : vector<64x768xf32>
      %dot_general3A_234 = tpu.matmul %sub3A_229, %get3A_232, %dot_general3A_233 {dimension_numbers = #tpu.dot_dimension_numbers<[1], [1], [0], [0], [0, 0, 1, 0], [], []>, precision = #tpu.contract_precision<fp32>, transpose_lhs_hint = false} : vector<64x64xf32>, vector<768x64xf32>, vector<64x768xf32> -> vector<64x768xf32>
      %convert_element_type3A_235 = arith.truncf %dot_general3A_234 : vector<64x768xf32> to vector<64x768xbf16>
      %swap3A_236 = arith.constant 0 : index
      %swap3A_237 = arith.constant 64 : index
      %swap3A_238 = arith.constant 0 : index
      %swap3A_239 = vector.load %arg12[%swap3A_236, %swap3A_237, %swap3A_238] : memref<1x768x768xbf16, #tpu.memory_space<vmem>>, vector<1x64x768xbf16>
      %swap3A_240 = vector.shape_cast %swap3A_239 : vector<1x64x768xbf16> to vector<64x768xbf16>
      %swap3A_241 = vector.shape_cast %convert_element_type3A_235 : vector<64x768xbf16> to vector<1x64x768xbf16>
      tpu.vector_store %arg12[%swap3A_236, %swap3A_237, %swap3A_238], %swap3A_241 {strides = array<i32>} : memref<1x768x768xbf16, #tpu.memory_space<vmem>>, vector<1x64x768xbf16>,
      %slice3A_242 = vector.extract_strided_slice %div3A_209 {offsets = [128, 0], sizes = [64, 64], strides = [1, 1]} : vector<768x64xf32> to vector<64x64xf32>
      %slice3A_243 = vector.extract_strided_slice %mul3A_202 {offsets = [0, 128], sizes = [1, 64], strides = [1, 1]} : vector<1x768xf32> to vector<1x64xf32>
      %sub3A_244 = vector.broadcast %slice3A_243 : vector<1x64xf32> to vector<64x64xf32>
      %sub3A_245 = arith.subf %slice3A_242, %sub3A_244 : vector<64x64xf32>
      %get3A_246 = arith.constant 0 : index
      %get3A_247 = arith.constant 128 : index
      %get3A_248 = vector.load %arg7[%get3A_246, %get3A_247] : memref<768x768xf32, #tpu.memory_space<vmem>>, vector<768x64xf32>
      %dot_general3A_249 = arith.constant dense<0.000000e+00> : vector<64x768xf32>
      %dot_general3A_250 = tpu.matmul %sub3A_245, %get3A_248, %dot_general3A_249 {dimension_numbers = #tpu.dot_dimension_numbers<[1], [1], [0], [0], [0, 0, 1, 0], [], []>, precision = #tpu.contract_precision<fp32>, transpose_lhs_hint = false} : vector<64x64xf32>, vector<768x64xf32>, vector<64x768xf32> -> vector<64x768xf32>
      %convert_element_type3A_251 = arith.truncf %dot_general3A_250 : vector<64x768xf32> to vector<64x768xbf16>
      %swap3A_252 = arith.constant 0 : index
      %swap3A_253 = arith.constant 128 : index
      %swap3A_254 = arith.constant 0 : index
      %swap3A_255 = vector.load %arg12[%swap3A_252, %swap3A_253, %swap3A_254] : memref<1x768x768xbf16, #tpu.memory_space<vmem>>, vector<1x64x768xbf16>
      %swap3A_256 = vector.shape_cast %swap3A_255 : vector<1x64x768xbf16> to vector<64x768xbf16>
      %swap3A_257 = vector.shape_cast %convert_element_type3A_251 : vector<64x768xbf16> to vector<1x64x768xbf16>
      tpu.vector_store %arg12[%swap3A_252, %swap3A_253, %swap3A_254], %swap3A_257 {strides = array<i32>} : memref<1x768x768xbf16, #tpu.memory_space<vmem>>, vector<1x64x768xbf16>,
      %slice3A_258 = vector.extract_strided_slice %div3A_209 {offsets = [192, 0], sizes = [64, 64], strides = [1, 1]} : vector<768x64xf32> to vector<64x64xf32>
      %slice3A_259 = vector.extract_strided_slice %mul3A_202 {offsets = [0, 192], sizes = [1, 64], strides = [1, 1]} : vector<1x768xf32> to vector<1x64xf32>
      %sub3A_260 = vector.broadcast %slice3A_259 : vector<1x64xf32> to vector<64x64xf32>
      %sub3A_261 = arith.subf %slice3A_258, %sub3A_260 : vector<64x64xf32>
      %get3A_262 = arith.constant 0 : index
      %get3A_263 = arith.constant 192 : index
      %get3A_264 = vector.load %arg7[%get3A_262, %get3A_263] : memref<768x768xf32, #tpu.memory_space<vmem>>, vector<768x64xf32>
      %dot_general3A_265 = arith.constant dense<0.000000e+00> : vector<64x768xf32>
      %dot_general3A_266 = tpu.matmul %sub3A_261, %get3A_264, %dot_general3A_265 {dimension_numbers = #tpu.dot_dimension_numbers<[1], [1], [0], [0], [0, 0, 1, 0], [], []>, precision = #tpu.contract_precision<fp32>, transpose_lhs_hint = false} : vector<64x64xf32>, vector<768x64xf32>, vector<64x768xf32> -> vector<64x768xf32>
      %convert_element_type3A_267 = arith.truncf %dot_general3A_266 : vector<64x768xf32> to vector<64x768xbf16>
      %swap3A_268 = arith.constant 0 : index
      %swap3A_269 = arith.constant 192 : index
      %swap3A_270 = arith.constant 0 : index
      %swap3A_271 = vector.load %arg12[%swap3A_268, %swap3A_269, %swap3A_270] : memref<1x768x768xbf16, #tpu.memory_space<vmem>>, vector<1x64x768xbf16>
      %swap3A_272 = vector.shape_cast %swap3A_271 : vector<1x64x768xbf16> to vector<64x768xbf16>
      %swap3A_273 = vector.shape_cast %convert_element_type3A_267 : vector<64x768xbf16> to vector<1x64x768xbf16>
      tpu.vector_store %arg12[%swap3A_268, %swap3A_269, %swap3A_270], %swap3A_273 {strides = array<i32>} : memref<1x768x768xbf16, #tpu.memory_space<vmem>>, vector<1x64x768xbf16>,
      %slice3A_274 = vector.extract_strided_slice %div3A_209 {offsets = [256, 0], sizes = [64, 64], strides = [1, 1]} : vector<768x64xf32> to vector<64x64xf32>
      %slice3A_275 = vector.extract_strided_slice %mul3A_202 {offsets = [0, 256], sizes = [1, 64], strides = [1, 1]} : vector<1x768xf32> to vector<1x64xf32>
      %sub3A_276 = vector.broadcast %slice3A_275 : vector<1x64xf32> to vector<64x64xf32>
      %sub3A_277 = arith.subf %slice3A_274, %sub3A_276 : vector<64x64xf32>
      %get3A_278 = arith.constant 0 : index
      %get3A_279 = arith.constant 256 : index
      %get3A_280 = vector.load %arg7[%get3A_278, %get3A_279] : memref<768x768xf32, #tpu.memory_space<vmem>>, vector<768x64xf32>
      %dot_general3A_281 = arith.constant dense<0.000000e+00> : vector<64x768xf32>
      %dot_general3A_282 = tpu.matmul %sub3A_277, %get3A_280, %dot_general3A_281 {dimension_numbers = #tpu.dot_dimension_numbers<[1], [1], [0], [0], [0, 0, 1, 0], [], []>, precision = #tpu.contract_precision<fp32>, transpose_lhs_hint = false} : vector<64x64xf32>, vector<768x64xf32>, vector<64x768xf32> -> vector<64x768xf32>
      %convert_element_type3A_283 = arith.truncf %dot_general3A_282 : vector<64x768xf32> to vector<64x768xbf16>
      %swap3A_284 = arith.constant 0 : index
      %swap3A_285 = arith.constant 256 : index
      %swap3A_286 = arith.constant 0 : index
      %swap3A_287 = vector.load %arg12[%swap3A_284, %swap3A_285, %swap3A_286] : memref<1x768x768xbf16, #tpu.memory_space<vmem>>, vector<1x64x768xbf16>
      %swap3A_288 = vector.shape_cast %swap3A_287 : vector<1x64x768xbf16> to vector<64x768xbf16>
      %swap3A_289 = vector.shape_cast %convert_element_type3A_283 : vector<64x768xbf16> to vector<1x64x768xbf16>
      tpu.vector_store %arg12[%swap3A_284, %swap3A_285, %swap3A_286], %swap3A_289 {strides = array<i32>} : memref<1x768x768xbf16, #tpu.memory_space<vmem>>, vector<1x64x768xbf16>,
      %slice3A_290 = vector.extract_strided_slice %div3A_209 {offsets = [320, 0], sizes = [64, 64], strides = [1, 1]} : vector<768x64xf32> to vector<64x64xf32>
      %slice3A_291 = vector.extract_strided_slice %mul3A_202 {offsets = [0, 320], sizes = [1, 64], strides = [1, 1]} : vector<1x768xf32> to vector<1x64xf32>
      %sub3A_292 = vector.broadcast %slice3A_291 : vector<1x64xf32> to vector<64x64xf32>
      %sub3A_293 = arith.subf %slice3A_290, %sub3A_292 : vector<64x64xf32>
      %get3A_294 = arith.constant 0 : index
      %get3A_295 = arith.constant 320 : index
      %get3A_296 = vector.load %arg7[%get3A_294, %get3A_295] : memref<768x768xf32, #tpu.memory_space<vmem>>, vector<768x64xf32>
      %dot_general3A_297 = arith.constant dense<0.000000e+00> : vector<64x768xf32>
      %dot_general3A_298 = tpu.matmul %sub3A_293, %get3A_296, %dot_general3A_297 {dimension_numbers = #tpu.dot_dimension_numbers<[1], [1], [0], [0], [0, 0, 1, 0], [], []>, precision = #tpu.contract_precision<fp32>, transpose_lhs_hint = false} : vector<64x64xf32>, vector<768x64xf32>, vector<64x768xf32> -> vector<64x768xf32>
      %convert_element_type3A_299 = arith.truncf %dot_general3A_298 : vector<64x768xf32> to vector<64x768xbf16>
      %swap3A_300 = arith.constant 0 : index
      %swap3A_301 = arith.constant 320 : index
      %swap3A_302 = arith.constant 0 : index
      %swap3A_303 = vector.load %arg12[%swap3A_300, %swap3A_301, %swap3A_302] : memref<1x768x768xbf16, #tpu.memory_space<vmem>>, vector<1x64x768xbf16>
      %swap3A_304 = vector.shape_cast %swap3A_303 : vector<1x64x768xbf16> to vector<64x768xbf16>
      %swap3A_305 = vector.shape_cast %convert_element_type3A_299 : vector<64x768xbf16> to vector<1x64x768xbf16>
      tpu.vector_store %arg12[%swap3A_300, %swap3A_301, %swap3A_302], %swap3A_305 {strides = array<i32>} : memref<1x768x768xbf16, #tpu.memory_space<vmem>>, vector<1x64x768xbf16>,
      %slice3A_306 = vector.extract_strided_slice %div3A_209 {offsets = [384, 0], sizes = [64, 64], strides = [1, 1]} : vector<768x64xf32> to vector<64x64xf32>
      %slice3A_307 = vector.extract_strided_slice %mul3A_202 {offsets = [0, 384], sizes = [1, 64], strides = [1, 1]} : vector<1x768xf32> to vector<1x64xf32>
      %sub3A_308 = vector.broadcast %slice3A_307 : vector<1x64xf32> to vector<64x64xf32>
      %sub3A_309 = arith.subf %slice3A_306, %sub3A_308 : vector<64x64xf32>
      %get3A_310 = arith.constant 0 : index
      %get3A_311 = arith.constant 384 : index
      %get3A_312 = vector.load %arg7[%get3A_310, %get3A_311] : memref<768x768xf32, #tpu.memory_space<vmem>>, vector<768x64xf32>
      %dot_general3A_313 = arith.constant dense<0.000000e+00> : vector<64x768xf32>
      %dot_general3A_314 = tpu.matmul %sub3A_309, %get3A_312, %dot_general3A_313 {dimension_numbers = #tpu.dot_dimension_numbers<[1], [1], [0], [0], [0, 0, 1, 0], [], []>, precision = #tpu.contract_precision<fp32>, transpose_lhs_hint = false} : vector<64x64xf32>, vector<768x64xf32>, vector<64x768xf32> -> vector<64x768xf32>
      %convert_element_type3A_315 = arith.truncf %dot_general3A_314 : vector<64x768xf32> to vector<64x768xbf16>
      %swap3A_316 = arith.constant 0 : index
      %swap3A_317 = arith.constant 384 : index
      %swap3A_318 = arith.constant 0 : index
      %swap3A_319 = vector.load %arg12[%swap3A_316, %swap3A_317, %swap3A_318] : memref<1x768x768xbf16, #tpu.memory_space<vmem>>, vector<1x64x768xbf16>
      %swap3A_320 = vector.shape_cast %swap3A_319 : vector<1x64x768xbf16> to vector<64x768xbf16>
      %swap3A_321 = vector.shape_cast %convert_element_type3A_315 : vector<64x768xbf16> to vector<1x64x768xbf16>
      tpu.vector_store %arg12[%swap3A_316, %swap3A_317, %swap3A_318], %swap3A_321 {strides = array<i32>} : memref<1x768x768xbf16, #tpu.memory_space<vmem>>, vector<1x64x768xbf16>,
      %slice3A_322 = vector.extract_strided_slice %div3A_209 {offsets = [448, 0], sizes = [64, 64], strides = [1, 1]} : vector<768x64xf32> to vector<64x64xf32>
      %slice3A_323 = vector.extract_strided_slice %mul3A_202 {offsets = [0, 448], sizes = [1, 64], strides = [1, 1]} : vector<1x768xf32> to vector<1x64xf32>
      %sub3A_324 = vector.broadcast %slice3A_323 : vector<1x64xf32> to vector<64x64xf32>
      %sub3A_325 = arith.subf %slice3A_322, %sub3A_324 : vector<64x64xf32>
      %get3A_326 = arith.constant 0 : index
      %get3A_327 = arith.constant 448 : index
      %get3A_328 = vector.load %arg7[%get3A_326, %get3A_327] : memref<768x768xf32, #tpu.memory_space<vmem>>, vector<768x64xf32>
      %dot_general3A_329 = arith.constant dense<0.000000e+00> : vector<64x768xf32>
      %dot_general3A_330 = tpu.matmul %sub3A_325, %get3A_328, %dot_general3A_329 {dimension_numbers = #tpu.dot_dimension_numbers<[1], [1], [0], [0], [0, 0, 1, 0], [], []>, precision = #tpu.contract_precision<fp32>, transpose_lhs_hint = false} : vector<64x64xf32>, vector<768x64xf32>, vector<64x768xf32> -> vector<64x768xf32>
      %convert_element_type3A_331 = arith.truncf %dot_general3A_330 : vector<64x768xf32> to vector<64x768xbf16>
      %swap3A_332 = arith.constant 0 : index
      %swap3A_333 = arith.constant 448 : index
      %swap3A_334 = arith.constant 0 : index
      %swap3A_335 = vector.load %arg12[%swap3A_332, %swap3A_333, %swap3A_334] : memref<1x768x768xbf16, #tpu.memory_space<vmem>>, vector<1x64x768xbf16>
      %swap3A_336 = vector.shape_cast %swap3A_335 : vector<1x64x768xbf16> to vector<64x768xbf16>
      %swap3A_337 = vector.shape_cast %convert_element_type3A_331 : vector<64x768xbf16> to vector<1x64x768xbf16>
      tpu.vector_store %arg12[%swap3A_332, %swap3A_333, %swap3A_334], %swap3A_337 {strides = array<i32>} : memref<1x768x768xbf16, #tpu.memory_space<vmem>>, vector<1x64x768xbf16>,
      %slice3A_338 = vector.extract_strided_slice %div3A_209 {offsets = [512, 0], sizes = [64, 64], strides = [1, 1]} : vector<768x64xf32> to vector<64x64xf32>
      %slice3A_339 = vector.extract_strided_slice %mul3A_202 {offsets = [0, 512], sizes = [1, 64], strides = [1, 1]} : vector<1x768xf32> to vector<1x64xf32>
      %sub3A_340 = vector.broadcast %slice3A_339 : vector<1x64xf32> to vector<64x64xf32>
      %sub3A_341 = arith.subf %slice3A_338, %sub3A_340 : vector<64x64xf32>
      %get3A_342 = arith.constant 0 : index
      %get3A_343 = arith.constant 512 : index
      %get3A_344 = vector.load %arg7[%get3A_342, %get3A_343] : memref<768x768xf32, #tpu.memory_space<vmem>>, vector<768x64xf32>
      %dot_general3A_345 = arith.constant dense<0.000000e+00> : vector<64x768xf32>
      %dot_general3A_346 = tpu.matmul %sub3A_341, %get3A_344, %dot_general3A_345 {dimension_numbers = #tpu.dot_dimension_numbers<[1], [1], [0], [0], [0, 0, 1, 0], [], []>, precision = #tpu.contract_precision<fp32>, transpose_lhs_hint = false} : vector<64x64xf32>, vector<768x64xf32>, vector<64x768xf32> -> vector<64x768xf32>
      %convert_element_type3A_347 = arith.truncf %dot_general3A_346 : vector<64x768xf32> to vector<64x768xbf16>
      %swap3A_348 = arith.constant 0 : index
      %swap3A_349 = arith.constant 512 : index
      %swap3A_350 = arith.constant 0 : index
      %swap3A_351 = vector.load %arg12[%swap3A_348, %swap3A_349, %swap3A_350] : memref<1x768x768xbf16, #tpu.memory_space<vmem>>, vector<1x64x768xbf16>
      %swap3A_352 = vector.shape_cast %swap3A_351 : vector<1x64x768xbf16> to vector<64x768xbf16>
      %swap3A_353 = vector.shape_cast %convert_element_type3A_347 : vector<64x768xbf16> to vector<1x64x768xbf16>
      tpu.vector_store %arg12[%swap3A_348, %swap3A_349, %swap3A_350], %swap3A_353 {strides = array<i32>} : memref<1x768x768xbf16, #tpu.memory_space<vmem>>, vector<1x64x768xbf16>,
      %slice3A_354 = vector.extract_strided_slice %div3A_209 {offsets = [576, 0], sizes = [64, 64], strides = [1, 1]} : vector<768x64xf32> to vector<64x64xf32>
      %slice3A_355 = vector.extract_strided_slice %mul3A_202 {offsets = [0, 576], sizes = [1, 64], strides = [1, 1]} : vector<1x768xf32> to vector<1x64xf32>
      %sub3A_356 = vector.broadcast %slice3A_355 : vector<1x64xf32> to vector<64x64xf32>
      %sub3A_357 = arith.subf %slice3A_354, %sub3A_356 : vector<64x64xf32>
      %get3A_358 = arith.constant 0 : index
      %get3A_359 = arith.constant 576 : index
      %get3A_360 = vector.load %arg7[%get3A_358, %get3A_359] : memref<768x768xf32, #tpu.memory_space<vmem>>, vector<768x64xf32>
      %dot_general3A_361 = arith.constant dense<0.000000e+00> : vector<64x768xf32>
      %dot_general3A_362 = tpu.matmul %sub3A_357, %get3A_360, %dot_general3A_361 {dimension_numbers = #tpu.dot_dimension_numbers<[1], [1], [0], [0], [0, 0, 1, 0], [], []>, precision = #tpu.contract_precision<fp32>, transpose_lhs_hint = false} : vector<64x64xf32>, vector<768x64xf32>, vector<64x768xf32> -> vector<64x768xf32>
      %convert_element_type3A_363 = arith.truncf %dot_general3A_362 : vector<64x768xf32> to vector<64x768xbf16>
      %swap3A_364 = arith.constant 0 : index
      %swap3A_365 = arith.constant 576 : index
      %swap3A_366 = arith.constant 0 : index
      %swap3A_367 = vector.load %arg12[%swap3A_364, %swap3A_365, %swap3A_366] : memref<1x768x768xbf16, #tpu.memory_space<vmem>>, vector<1x64x768xbf16>
      %swap3A_368 = vector.shape_cast %swap3A_367 : vector<1x64x768xbf16> to vector<64x768xbf16>
      %swap3A_369 = vector.shape_cast %convert_element_type3A_363 : vector<64x768xbf16> to vector<1x64x768xbf16>
      tpu.vector_store %arg12[%swap3A_364, %swap3A_365, %swap3A_366], %swap3A_369 {strides = array<i32>} : memref<1x768x768xbf16, #tpu.memory_space<vmem>>, vector<1x64x768xbf16>,
      %slice3A_370 = vector.extract_strided_slice %div3A_209 {offsets = [640, 0], sizes = [64, 64], strides = [1, 1]} : vector<768x64xf32> to vector<64x64xf32>
      %slice3A_371 = vector.extract_strided_slice %mul3A_202 {offsets = [0, 640], sizes = [1, 64], strides = [1, 1]} : vector<1x768xf32> to vector<1x64xf32>
      %sub3A_372 = vector.broadcast %slice3A_371 : vector<1x64xf32> to vector<64x64xf32>
      %sub3A_373 = arith.subf %slice3A_370, %sub3A_372 : vector<64x64xf32>
      %get3A_374 = arith.constant 0 : index
      %get3A_375 = arith.constant 640 : index
      %get3A_376 = vector.load %arg7[%get3A_374, %get3A_375] : memref<768x768xf32, #tpu.memory_space<vmem>>, vector<768x64xf32>
      %dot_general3A_377 = arith.constant dense<0.000000e+00> : vector<64x768xf32>
      %dot_general3A_378 = tpu.matmul %sub3A_373, %get3A_376, %dot_general3A_377 {dimension_numbers = #tpu.dot_dimension_numbers<[1], [1], [0], [0], [0, 0, 1, 0], [], []>, precision = #tpu.contract_precision<fp32>, transpose_lhs_hint = false} : vector<64x64xf32>, vector<768x64xf32>, vector<64x768xf32> -> vector<64x768xf32>
      %convert_element_type3A_379 = arith.truncf %dot_general3A_378 : vector<64x768xf32> to vector<64x768xbf16>
      %swap3A_380 = arith.constant 0 : index
      %swap3A_381 = arith.constant 640 : index
      %swap3A_382 = arith.constant 0 : index
      %swap3A_383 = vector.load %arg12[%swap3A_380, %swap3A_381, %swap3A_382] : memref<1x768x768xbf16, #tpu.memory_space<vmem>>, vector<1x64x768xbf16>
      %swap3A_384 = vector.shape_cast %swap3A_383 : vector<1x64x768xbf16> to vector<64x768xbf16>
      %swap3A_385 = vector.shape_cast %convert_element_type3A_379 : vector<64x768xbf16> to vector<1x64x768xbf16>
      tpu.vector_store %arg12[%swap3A_380, %swap3A_381, %swap3A_382], %swap3A_385 {strides = array<i32>} : memref<1x768x768xbf16, #tpu.memory_space<vmem>>, vector<1x64x768xbf16>,
      %slice3A_386 = vector.extract_strided_slice %div3A_209 {offsets = [704, 0], sizes = [64, 64], strides = [1, 1]} : vector<768x64xf32> to vector<64x64xf32>
      %slice3A_387 = vector.extract_strided_slice %mul3A_202 {offsets = [0, 704], sizes = [1, 64], strides = [1, 1]} : vector<1x768xf32> to vector<1x64xf32>
      %sub3A_388 = vector.broadcast %slice3A_387 : vector<1x64xf32> to vector<64x64xf32>
      %sub3A_389 = arith.subf %slice3A_386, %sub3A_388 : vector<64x64xf32>
      %get3A_390 = arith.constant 0 : index
      %get3A_391 = arith.constant 704 : index
      %get3A_392 = vector.load %arg7[%get3A_390, %get3A_391] : memref<768x768xf32, #tpu.memory_space<vmem>>, vector<768x64xf32>
      %dot_general3A_393 = arith.constant dense<0.000000e+00> : vector<64x768xf32>
      %dot_general3A_394 = tpu.matmul %sub3A_389, %get3A_392, %dot_general3A_393 {dimension_numbers = #tpu.dot_dimension_numbers<[1], [1], [0], [0], [0, 0, 1, 0], [], []>, precision = #tpu.contract_precision<fp32>, transpose_lhs_hint = false} : vector<64x64xf32>, vector<768x64xf32>, vector<64x768xf32> -> vector<64x768xf32>
      %convert_element_type3A_395 = arith.truncf %dot_general3A_394 : vector<64x768xf32> to vector<64x768xbf16>
      %swap3A_396 = arith.constant 0 : index
      %swap3A_397 = arith.constant 704 : index
      %swap3A_398 = arith.constant 0 : index
      %swap3A_399 = vector.load %arg12[%swap3A_396, %swap3A_397, %swap3A_398] : memref<1x768x768xbf16, #tpu.memory_space<vmem>>, vector<1x64x768xbf16>
      %swap3A_400 = vector.shape_cast %swap3A_399 : vector<1x64x768xbf16> to vector<64x768xbf16>
      %swap3A_401 = vector.shape_cast %convert_element_type3A_395 : vector<64x768xbf16> to vector<1x64x768xbf16>
      tpu.vector_store %arg12[%swap3A_396, %swap3A_397, %swap3A_398], %swap3A_401 {strides = array<i32>} : memref<1x768x768xbf16, #tpu.memory_space<vmem>>, vector<1x64x768xbf16>,
      %get3A_402 = arith.constant 0 : index
      %get3A_403 = arith.constant 0 : index
      %get3A_404 = vector.load %arg7[%get3A_402, %get3A_403] : memref<768x768xf32, #tpu.memory_space<vmem>>, vector<768x768xf32>
      %dot_general3A_405 = arith.constant dense<0.000000e+00> : vector<1x768xf32>
      %dot_general3A_406 = tpu.matmul %mul3A_202, %get3A_404, %dot_general3A_405 {dimension_numbers = #tpu.dot_dimension_numbers<[1], [1], [0], [0], [0, 0, 1, 0], [], []>, precision = #tpu.contract_precision<fp32>, transpose_lhs_hint = false} : vector<1x768xf32>, vector<768x768xf32>, vector<1x768xf32> -> vector<1x768xf32>
      %get3A_407 = arith.constant 0 : index
      %get3A_408 = arith.constant 0 : index
      %get3A_409 = vector.load %arg11[%get3A_407, %get3A_408] : memref<1x768xf32, #tpu.memory_space<vmem>>, vector<1x768xf32>
      %add3A_410 = arith.addf %dot_general3A_406, %get3A_409 : vector<1x768xf32>
      %swap3A_411 = arith.constant 0 : index
      %swap3A_412 = arith.constant 0 : index
      %swap3A_413 = arith.constant 0 : index
      %swap3A_414 = vector.load %arg13[%swap3A_411, %swap3A_412, %swap3A_413] : memref<1x1x768xf32, #tpu.memory_space<vmem>>, vector<1x1x768xf32>
      %swap3A_415 = vector.shape_cast %swap3A_414 : vector<1x1x768xf32> to vector<1x768xf32>
      %swap3A_416 = vector.shape_cast %add3A_410 : vector<1x768xf32> to vector<1x1x768xf32>
      tpu.vector_store %arg13[%swap3A_411, %swap3A_412, %swap3A_413], %swap3A_416 {strides = array<i32>} : memref<1x1x768xf32, #tpu.memory_space<vmem>>, vector<1x1x768xf32>,
    } else {
    }
    return
  }
  func.func @transform_0(%arg0: i32, %arg1: i32) -> (i32, i32, i32) {
    %min3A = arith.constant 7 : i32
    %min3A_0 = arith.minsi %arg1, %min3A : i32
    %c0_i32 = arith.constant 0 : i32
    %c0_i32_1 = arith.constant 0 : i32
    return %arg0, %min3A_0, %c0_i32 : i32, i32, i32
  }
  func.func @transform_1(%arg0: i32, %arg1: i32) -> (i32, i32, i32) {
    %c0_i32 = arith.constant 0 : i32
    %c0_i32_0 = arith.constant 0 : i32
    %c0_i32_1 = arith.constant 0 : i32
    return %arg0, %c0_i32, %c0_i32_0 : i32, i32, i32
  }
  func.func @transform_2(%arg0: i32, %arg1: i32) -> (i32, i32) {
    %c0_i32 = arith.constant 0 : i32
    %c0_i32_0 = arith.constant 0 : i32
    %c0_i32_1 = arith.constant 0 : i32
    return %c0_i32, %c0_i32_0 : i32, i32
  }
  func.func @transform_3(%arg0: i32, %arg1: i32) -> (i32, i32) {
    %c0_i32 = arith.constant 0 : i32
    %c0_i32_0 = arith.constant 0 : i32
    %c0_i32_1 = arith.constant 0 : i32
    return %c0_i32, %c0_i32_0 : i32, i32
  }
  func.func @transform_4(%arg0: i32, %arg1: i32) -> (i32, i32) {
    %c0_i32 = arith.constant 0 : i32
    %c0_i32_0 = arith.constant 0 : i32
    %c0_i32_1 = arith.constant 0 : i32
    return %c0_i32, %c0_i32_0 : i32, i32
  }
  func.func @transform_5(%arg0: i32, %arg1: i32) -> (i32, i32) {
    %c0_i32 = arith.constant 0 : i32
    %c0_i32_0 = arith.constant 0 : i32
    %c0_i32_1 = arith.constant 0 : i32
    return %c0_i32, %c0_i32_0 : i32, i32
  }
  func.func @transform_6(%arg0: i32, %arg1: i32) -> (i32, i32) {
    %c0_i32 = arith.constant 0 : i32
    %c0_i32_0 = arith.constant 0 : i32
    %c0_i32_1 = arith.constant 0 : i32
    return %c0_i32, %c0_i32_0 : i32, i32
  }
  func.func @transform_7(%arg0: i32, %arg1: i32) -> (i32, i32) {
    %c0_i32 = arith.constant 0 : i32
    %c0_i32_0 = arith.constant 0 : i32
    %c0_i32_1 = arith.constant 0 : i32
    return %c0_i32, %c0_i32_0 : i32, i32
  }
  func.func @transform_8(%arg0: i32, %arg1: i32) -> (i32, i32) {
    %c0_i32 = arith.constant 0 : i32
    %c0_i32_0 = arith.constant 0 : i32
    %c0_i32_1 = arith.constant 0 : i32
    return %c0_i32, %c0_i32_0 : i32, i32
  }
  func.func @transform_9(%arg0: i32, %arg1: i32) -> (i32, i32) {
    %c0_i32 = arith.constant 0 : i32
    %c0_i32_0 = arith.constant 0 : i32
    %c0_i32_1 = arith.constant 0 : i32
    return %c0_i32, %c0_i32_0 : i32, i32
  }
  func.func @transform_10(%arg0: i32, %arg1: i32) -> (i32, i32, i32) {
    %c0_i32 = arith.constant 0 : i32
    %c0_i32_0 = arith.constant 0 : i32
    %c0_i32_1 = arith.constant 0 : i32
    return %arg0, %c0_i32, %c0_i32_0 : i32, i32, i32
  }
  func.func @transform_11(%arg0: i32, %arg1: i32) -> (i32, i32, i32) {
    %c0_i32 = arith.constant 0 : i32
    %c0_i32_0 = arith.constant 0 : i32
    %c0_i32_1 = arith.constant 0 : i32
    return %arg0, %c0_i32, %c0_i32_0 : i32, i32, i32
  }
}

module attributes {stable_mosaic.version = 14 : i64} {
  func.func @_asm_body(%arg0: i32, %arg1: i32, %arg2: memref<1x1x768xi32, #tpu.memory_space<vmem>>, %arg3: memref<1x768x768xbf16, #tpu.memory_space<vmem>>, %arg4: memref<1x1x768xf32, #tpu.memory_space<vmem>>, %arg5: memref<1x512x768xf32, #tpu.memory_space<vmem>>) attributes {dimension_semantics = [#tpu.dimension_semantics<arbitrary>, #tpu.dimension_semantics<arbitrary>], iteration_bounds = array<i64: 4, 16>, scalar_prefetch = 0 : i64, scratch_operands = 0 : i64, tpu.core_type = #tpu.core_type<tc>, window_params = [{transform_indices = @transform_0, window_bounds = array<i64: 1, 1, 768>}, {transform_indices = @transform_1, window_bounds = array<i64: 1, 768, 768>}, {transform_indices = @transform_2, window_bounds = array<i64: 1, 1, 768>}, {transform_indices = @transform_3, window_bounds = array<i64: 1, 512, 768>}]} {
    %get3A = arith.constant 0 : index
    %get3A_0 = arith.constant 0 : index
    %get3A_1 = arith.constant 0 : index
    %get3A_2 = vector.load %arg2[%get3A, %get3A_0, %get3A_1] : memref<1x1x768xi32, #tpu.memory_space<vmem>>, vector<1x1x768xi32>
    %get3A_3 = vector.shape_cast %get3A_2 : vector<1x1x768xi32> to vector<1x768xi32>
    %iota3A = tpu.iota {dimensions = array<i32: 0>} : vector<512x1xi32>
    %mul3A = arith.constant 512 : i32
    %mul3A_4 = arith.muli %arg1, %mul3A : i32
    %add3A = vector.broadcast %mul3A_4 : i32 to vector<512x1xi32>
    %add3A_5 = arith.addi %iota3A, %add3A : vector<512x1xi32>
    %eq3A = vector.broadcast %add3A_5 : vector<512x1xi32> to vector<512x768xi32>
    %eq3A_6 = vector.broadcast %get3A_3 : vector<1x768xi32> to vector<512x768xi32>
    %eq3A_7 = arith.cmpi eq, %eq3A, %eq3A_6 : vector<512x768xi32>
    %convert_element_type3A = arith.extui %eq3A_7 : vector<512x768xi1> to vector<512x768xi32>
    %convert_element_type3A_8 = arith.sitofp %convert_element_type3A : vector<512x768xi32> to vector<512x768xf32>
    %convert_element_type3A_9 = arith.truncf %convert_element_type3A_8 : vector<512x768xf32> to vector<512x768xbf16>
    %get3A_10 = arith.constant 0 : index
    %get3A_11 = arith.constant 0 : index
    %get3A_12 = arith.constant 0 : index
    %get3A_13 = vector.load %arg3[%get3A_10, %get3A_11, %get3A_12] : memref<1x768x768xbf16, #tpu.memory_space<vmem>>, vector<1x768x768xbf16>
    %get3A_14 = vector.shape_cast %get3A_13 : vector<1x768x768xbf16> to vector<768x768xbf16>
    %dot_general3A = arith.constant dense<0.000000e+00> : vector<512x768xf32>
    %dot_general3A_15 = tpu.matmul %convert_element_type3A_9, %get3A_14, %dot_general3A {dimension_numbers = #tpu.dot_dimension_numbers<[1], [0], [0], [1], [0, 0, 1, 1], [], []>, transpose_lhs_hint = false} : vector<512x768xbf16>, vector<768x768xbf16>, vector<512x768xf32> -> vector<512x768xf32>
    %get3A_16 = arith.constant 0 : index
    %get3A_17 = arith.constant 0 : index
    %get3A_18 = arith.constant 0 : index
    %get3A_19 = vector.load %arg4[%get3A_16, %get3A_17, %get3A_18] : memref<1x1x768xf32, #tpu.memory_space<vmem>>, vector<1x1x768xf32>
    %get3A_20 = vector.shape_cast %get3A_19 : vector<1x1x768xf32> to vector<1x768xf32>
    %add3A_21 = vector.broadcast %get3A_20 : vector<1x768xf32> to vector<512x768xf32>
    %add3A_22 = arith.addf %dot_general3A_15, %add3A_21 : vector<512x768xf32>
    %swap3A = arith.constant 0 : index
    %swap3A_23 = arith.constant 0 : index
    %swap3A_24 = arith.constant 0 : index
    %swap3A_25 = vector.load %arg5[%swap3A, %swap3A_23, %swap3A_24] : memref<1x512x768xf32, #tpu.memory_space<vmem>>, vector<1x512x768xf32>
    %swap3A_26 = vector.shape_cast %swap3A_25 : vector<1x512x768xf32> to vector<512x768xf32>
    %swap3A_27 = vector.shape_cast %add3A_22 : vector<512x768xf32> to vector<1x512x768xf32>
    tpu.vector_store %arg5[%swap3A, %swap3A_23, %swap3A_24], %swap3A_27 {strides = array<i32>} : memref<1x512x768xf32, #tpu.memory_space<vmem>>, vector<1x512x768xf32>,
    return
  }
  func.func @transform_0(%arg0: i32, %arg1: i32) -> (i32, i32, i32) {
    %c0_i32 = arith.constant 0 : i32
    %c0_i32_0 = arith.constant 0 : i32
    %c0_i32_1 = arith.constant 0 : i32
    return %arg0, %c0_i32, %c0_i32_0 : i32, i32, i32
  }
  func.func @transform_1(%arg0: i32, %arg1: i32) -> (i32, i32, i32) {
    %c0_i32 = arith.constant 0 : i32
    %c0_i32_0 = arith.constant 0 : i32
    %c0_i32_1 = arith.constant 0 : i32
    return %arg0, %c0_i32, %c0_i32_0 : i32, i32, i32
  }
  func.func @transform_2(%arg0: i32, %arg1: i32) -> (i32, i32, i32) {
    %c0_i32 = arith.constant 0 : i32
    %c0_i32_0 = arith.constant 0 : i32
    %c0_i32_1 = arith.constant 0 : i32
    return %arg0, %c0_i32, %c0_i32_0 : i32, i32, i32
  }
  func.func @transform_3(%arg0: i32, %arg1: i32) -> (i32, i32, i32) {
    %c0_i32 = arith.constant 0 : i32
    %c0_i32_0 = arith.constant 0 : i32
    return %arg0, %arg1, %c0_i32 : i32, i32, i32
  }
}

</mosaic_0001>

<sc_bundles>
// kernel: gather_offload_async_start
scs
__scs_entry_jumppad:
0x0: {  	(pc) =	sbr.rel $0x88, $3  }
0x1: {  	(tag) =	ssettag $0x0;
	lr =	simm.s32 $0x1  }
0x2: {  	[smem:$0x3F98] =	sst lr;
	_ =	strace $0xD0000000  }
0x3: {  	_ = 	snop  }
0x4: {  	_ = 	snop  }
0x5: {  	_ = 	snop  }
0x6: {  	_ = 	snop  }
0x7: {  	_ = 	snop  }
__scs_overlays_trampoline_lowered:
0x8: {  	[smem:$0x3FA7] =	sst s0  }
0x9: {  	[smem:$0x3FA8] =	sst s1  }
0xa: {  	[smem:$0x3FA9] =	sst s2  }
0xb: {  	[smem:$0x3FAA] =	sst s3  }
0xc: {  	[smem:$0x3FAB] =	sst s4  }
0xd: {  	[smem:$0x3FAC] =	sst s5  }
0xe: {  	[smem:$0x3FAD] =	sst s6  }
0xf: {  	[smem:$0x3FAE] =	sst s7  }
0x10: {  	[smem:$0x3FAF] =	sst s8  }
0x11: {  	[smem:$0x3FB0] =	sst s9;
	s0 =	simm.s32 @!p0 $0x0  }
0x12: {  	s1 =	sld [smem:$0x3F96];
	s0 =	simm.s32 @p0 $0x1  }
0x13: {  	[smem:$0x3FB1] =	sst s0;
	s0 =	simm.s32 @!p1 $0x0  }
0x14: {  	s2 =	sld [smem:$0x3F95];
	s0 =	simm.s32 @p1 $0x1  }
0x15: {  	[smem:$0x3FB2] =	sst s0;
	s0 =	simm.s32 @!p2 $0x0  }
0x16: {  	s3 =	sld [smem:$0x3FDB];
	s0 =	simm.s32 @p2 $0x1  }
0x17: {  	s4 =	simm.s32 $0x1BF5;
	[smem:$0x3FB4] =	sst s0  }
0x18: {  	s0 =	sld [smem:$0x3F97];
	_ =	swait.ge [sflag:s4], $0x0  }
0x19: {  	s7 =	sld [smem:$0x3F98]  }
0x1a: {  	s8 =	sadd.s32 $0xFFFFE003, lr  }
0x1b: {  	s9 =	sadd.s32 $0xFFFFFEF7, lr;
	s5 =	simm.s32 $0xFFFFFFFF;
	p2 =	slt.u32 s8, $0xFFFFF086  }
0x1c: {  	p1 =	slt.u32 s9, $0xF7A;
	s5 =	simm.s32 @!p2 $0x0  }
0x1d: {  	s5 =	simm.s32 @p1 $0x1;
	p0 =	seq.s32 s7, s2  }
0x1e: {  	s7 =	smul.u32 @!p0 $0xF7A, s2;
	p2 =	seq.s32 @!p0 s5, $0x0  }
0x1f: {  	s9 =	smul.u32 $0xF7A, s1;
	s8 =	simm.s32 @!p0 $0x1BF5;
	p2 =	por !p2, p0  }
0x20: {  	[sflag:s8] =	ssyncset.s32 @!p0 $0xFFFFF086;
	s6 =	sadd.s32 @!p0 s3, s7;
	s7 =	simm.s32 @!p0 $0x108  }
0x21: {  	s3 =	sadd.s32 s3, s9;
	s6 =	sadd.s32 @!p0 $0x88, s6;
	s7 =	simm.s32 @p2 $0x1082  }
0x22: {  	[simem:s7], [sflag:s8] =	dma.local @!p0 [hbm:s6], $0xF7A  }
0x23: {  	s9 =	sor.u32 $0xD0000000, s2;
	s6 =	simm.s32 $0x108;
	_ =	swait.ge @!p0 [sflag:s8], $0x0  }
0x24: {  	s3 =	sadd.s32 $0x88, s3;
	s6 =	simm.s32 @!p1 $0x1082;
	[sflag:s4] =	ssyncset.s32 $0xFFFFF086  }
0x25: {  	[simem:s6], [sflag:s4] =	dma.local [hbm:s3], $0xF7A  }
0x26: {  	[smem:$0x3F98] =	sst s1;
	(tag) =	ssettag s2;
	_ =	strace s9  }
0x27: {  	s1 =	sld [smem:$0x3FA8]  }
0x28: {  	s2 =	sld [smem:$0x3FA9]  }
0x29: {  	s4 =	sld [smem:$0x3FAB]  }
0x2a: {  	p0 =	seq.s32 s5, $0x0;
	s5 =	sld [smem:$0x3FAC]  }
0x2b: {  	s6 =	sld [smem:$0x3FAD]  }
0x2c: {  	s7 =	sld [smem:$0x3FAE]  }
0x2d: {  	s3 =	simm.s32 $0x108;
	s8 =	sld [smem:$0x3FAF]  }
0x2e: {  	s3 =	simm.s32 @!p0 $0x1082;
	s9 =	sld [smem:$0x3FB0]  }
0x2f: {  	lr =	sadd.s32 s0, s3;
	s0 =	sld [smem:$0x3FA7]  }
0x30: {  	s3 =	sld [smem:$0x3FAA]  }
0x31: {  	[smem:$0x3FB3] =	sst s10  }
0x32: {  	s10 =	sld [smem:$0x3FB1];
	_ =	sdelay $0x3  }
0x33: {  	p0 =	seq.s32 s10, $0x1;
	s10 =	sld [smem:$0x3FB3];
	_ =	sdelay $0x3  }
0x34: {  	[smem:$0x3FB3] =	sst s10  }
0x35: {  	s10 =	sld [smem:$0x3FB2];
	_ =	sdelay $0x3  }
0x36: {  	p1 =	seq.s32 s10, $0x1;
	s10 =	sld [smem:$0x3FB3];
	_ =	sdelay $0x3  }
0x37: {  	[smem:$0x3FB3] =	sst s10  }
0x38: {  	s10 =	sld [smem:$0x3FB4]  }
0x39: {  	_ = 	snop;
	(pc) =	sbr.ind lr, $3  }
0x3a: {  	_ = 	snop  }
0x3b: {  	_ = 	snop  }
0x3c: {  	p2 =	seq.s32 s10, $0x1;
	s10 =	sld [smem:$0x3FB3]  }
0x3d: {  	_ =	shalt  }
0x3e: {  	_ =	shalt  }
0x3f: {  	_ =	shalt  }
0x40: {  	_ =	shalt  }
0x41: {  	_ =	shalt  }
0x42: {  	_ =	shalt  }
0x43: {  	_ =	shalt  }
0x44: {  	_ =	shalt  }
0x45: {  	_ =	shalt  }
0x46: {  	_ =	shalt  }
0x47: {  	_ =	shalt  }
0x48: {  	_ =	shalt  }
0x49: {  	_ =	shalt  }
0x4a: {  	_ =	shalt  }
0x4b: {  	_ =	shalt  }
0x4c: {  	_ =	shalt  }
0x4d: {  	_ =	shalt  }
0x4e: {  	_ =	shalt  }
0x4f: {  	_ =	shalt  }
0x50: {  	_ =	shalt  }
0x51: {  	_ =	shalt  }
0x52: {  	_ =	shalt  }
0x53: {  	_ =	shalt  }
0x54: {  	_ =	shalt  }
0x55: {  	_ =	shalt  }
0x56: {  	_ =	shalt  }
0x57: {  	_ =	shalt  }
0x58: {  	_ =	shalt  }
0x59: {  	_ =	shalt  }
0x5a: {  	_ =	shalt  }
0x5b: {  	_ =	shalt  }
0x5c: {  	_ =	shalt  }
0x5d: {  	_ =	shalt  }
0x5e: {  	_ =	shalt  }
0x5f: {  	_ =	shalt  }
0x60: {  	_ =	shalt  }
0x61: {  	_ =	shalt  }
0x62: {  	_ =	shalt  }
0x63: {  	_ =	shalt  }
0x64: {  	_ =	shalt  }
0x65: {  	_ =	shalt  }
0x66: {  	_ =	shalt  }
0x67: {  	_ =	shalt  }
0x68: {  	_ =	shalt  }
0x69: {  	_ =	shalt  }
0x6a: {  	_ =	shalt  }
0x6b: {  	_ =	shalt  }
0x6c: {  	_ =	shalt  }
0x6d: {  	_ =	shalt  }
0x6e: {  	_ =	shalt  }
0x6f: {  	_ =	shalt  }
0x70: {  	_ =	shalt  }
0x71: {  	_ =	shalt  }
0x72: {  	_ =	shalt  }
0x73: {  	_ =	shalt  }
0x74: {  	_ =	shalt  }
0x75: {  	_ =	shalt  }
0x76: {  	_ =	shalt  }
0x77: {  	_ =	shalt  }
0x78: {  	_ =	shalt  }
0x79: {  	_ =	shalt  }
0x7a: {  	_ =	shalt  }
0x7b: {  	_ =	shalt  }
0x7c: {  	_ =	shalt  }
0x7d: {  	_ =	shalt  }
0x7e: {  	_ =	shalt  }
0x7f: {  	_ =	shalt  }
0x80: {  	_ =	shalt  }
0x81: {  	_ =	shalt  }
0x82: {  	_ =	shalt  }
0x83: {  	_ =	shalt  }
0x84: {  	_ =	shalt  }
0x85: {  	_ =	shalt  }
0x86: {  	_ =	shalt  }
0x87: {  	_ =	shalt  }
.Lfunc_end0:
.L_simem_size_0:
called_computation_lowered:
.L_overlay_start_0:
0x88: {  	s2 =	sld [smem:$0x3FD9]  }
0x89: {  	s3 =	sld [smem:$0x3FFE];
	_ =	sdelay $0x1  }
0x8a: {  	s1 =	srdreg.scid  }
0x8b: {  	s0 =	sand.u32 $0x1, s1  }
0x8c: {  	s17 =	sshll.u32 s0, $0xA;
	s2 =	sadd.s32 s3, s2  }
0x8d: {  	s2 =	sadd.s32 s2, s17  }
0x8e: {  	[smem:$0x3FBF] =	sst s2  }
0x8f: {  	_ = 	snop  }
0x90: {  	s2 =	sld [smem:$0x3FC9]  }
0x91: {  	s18 =	sld [smem:$0x3FD0];
	(tm) =	ssettm $0x1  }
0x92: {  	s4 =	sld [smem:$0x3FFB];
	_ =	sdelay $0x3  }
0x93: {  	_ =	strace s4  }
0x94: {  	s4 =	sld [smem:$0x3FFC];
	_ =	sdelay $0x3  }
0x95: {  	_ =	strace s4  }
0x96: {  	s4 =	sld [smem:$0x3FFD];
	_ =	sdelay $0x3  }
0x97: {  	_ =	strace s4  }
0x98: {  	_ =	strace $0x8FFFFFFF  }
0x99: {  	s19 =	sld [smem:$0x3FDB];
	_ =	sdelay $0x1  }
0x9a: {  	s5 =	simm.s32 $_scs_section_size  }
0x9b: {  	s6 =	simm.s32 $_size__tile_overlayer_lowered;
	s7 =	simm.s32 $_tile_overlayer_lowered  }
0x9c: {  	s22 =	simm.s32 $0x1BFF;
	s21 =	sshll.u32 s7, $0x1;
	s4 =	sadd.s32 s5, s19  }
0x9d: {  	s8 =	simm.s32 $0x0;
	s20 =	sshll.u32 s6, $0x1;
	s6 =	sadd.s32 s21, s4  }
0x9e: {  	[timem:s8], [sflag:s22] =	dma.local [hbm:s6], s20  }
0x9f: {  	_ =	swait.ge [sflag:s22], s20  }
0xa0: {  	s5 =	ssub.s32 $0x0, s20;
	[sflag:s22] =	ssyncset.done $0x0  }
0xa1: {  	[sflag:s22] =	ssyncadd.s32 s5;
	_ =	sdelay $0x1  }
0xa2: {  	s23 =	simm.s32 $0x1B8B  }
0xa3: {  	_ =	swait.ge [sflag:s23], $0x1  }
0xa4: {  	[sflag:s23] =	ssyncset.done $0x0  }
0xa5: {  	s25 =	simm.s32 $0x1B8E;
	s24 =	sld [smem:$0x3FFE];
	[sflag:s23] =	ssyncadd.s32 $0xFFFFFFFF  }
0xa6: {  	s26 =	simm.s32 $execute0_lowered;
	[smem:$0x3FD2] =	sst s25  }
0xa7: {  	s6 =	sshll.u32 s26, $0x1;
	_ =	strace $0x80000046;
	[dreg:$0x1] =	wrdreg $0xFFFFFFFF  }
0xa8: {  	s28 =	simm.s32 $_size_execute0_lowered;
	s4 =	sadd.s32 s4, s6;
	[dreg:$0x0] =	wrdreg $0x0  }
0xa9: {  	s6 =	sshll.u32 s28, $0x1;
	[dreg:$0x2] =	wrdreg s4  }
0xaa: {  	[dreg:$0x3] =	wrdreg s6  }
0xab: {  	[dreg:$0x4] =	wrdreg $0xC0  }
0xac: {  	_ =	task [dreg:s8], $0x5FFFF  }
0xad: {  	[dreg:$0x1] =	wrdreg $0xFFFFFFFF  }
0xae: {  	[dreg:$0x0] =	wrdreg $0x60  }
0xaf: {  	[dreg:$0x2] =	wrdreg s2  }
0xb0: {  	[dreg:$0x3] =	wrdreg s24  }
0xb1: {  	[dreg:$0x4] =	wrdreg s18  }
0xb2: {  	[dreg:$0x5] =	wrdreg $0x9  }
0xb3: {  	_ =	task.clear_ibuf [dreg:s8], $0x6FFFF;
	_ =	strace $0x90000046  }
0xb4: {  	s29 =	simm.s32 $0x9;
	_ =	strace $0x80000048  }
0xb5: {  	_ =	swait.ge [sflag:s29], $0x1  }
0xb6: {  	[sflag:s29] =	ssyncadd.s32 $0xFFFFFFFF  }
0xb7: {  	_ =	strace $0x90000048  }
0xb8: {  	_ =	sfence  }
0xb9: {  	s30 =	sld [smem:$0x0];
	_ =	sdelay $0x2  }
0xba: {  	s31 =	sshll.u32 s1, $0xD;
	s1 =	sshrl.u32 s1, $0x2  }
0xbb: {  	s3 =	sand.u32 $0x4000, s31;
	s1 =	sadd.s32 s1, s30  }
0xbc: {  	s0 =	sor.u32 s3, s0;
	s1 =	sshll.u32 s1, $0x11  }
0xbd: {  	s0 =	sor.u32 s1, s0  }
0xbe: {  	s0 =	sadd.s32 $0x8F2B, s0  }
0xbf: {  	[sflag:s0] =	ssyncadd.remote.s32 $0x1  }
0xc0: {  	_ =	sfence.sel $0xFFFF  }
0xc1: {  	[dreg:$0x0] =	wrdreg $0xFFFFFFFF;
	(pc) =	sbr.abs _section_cstart, $3  }
0xc2: {  	[dreg:$0x1] =	wrdreg $0xFFFFFFFF  }
0xc3: {  	_ =	task.clear_ibuf [dreg:s8], $0x2FFFF;
	_ =	strace $0x9FFFFFFF  }
0xc4: {  	(tm) =	ssettm $0x7FFFFFFF  }
0xc5: {  	_ =	shalt  }
tec
execute0_lowered:
.L_overlay_start_1:
0x0: {  	(tag) =	ssettag $0x1  }
0x1: {  	s0 =	srdreg.scid  }
0x2: {  	s1 =	sshll.u32 s0, $0x4  }
0x3: {  	s0 =	stileid.u32;
	s1 =	sand.u32 $0x10, s1  }
0x4: {  	s2 =	sor.u32 s0, s1  }
0x5: {  	s3 =	smin.u32 s2, $0x10  }
0x6: {  	s2 =	sadd.s32 s2, s3  }
0x7: {  	s1 =	sshll.u32 s1, $0x2;
	s2 =	sshll.u32 s2, $0x6  }
0x8: {  	s4 =	rddreg [dreg:$0x1];
	s1 =	ssub.s32 s2, s1  }
0x9: {  	s6 =	rddreg [dreg:$0x2];
	s1 =	sadd.s32 $0x80, s1  }
0xa: {  	s7 =	simm.s32 $0x1;
	s8 =	simm.s32 $0x2;
	s5 =	smin.u32 s1, $0xC00  }
0xb: {  	s10 =	simm.s32 $0x3;
	s13 =	simm.s32 $0x0;
	s9 =	ssub.s32 s5, s2  }
.Ltmp0:
0xc: {  	s3 =	rddreg [dreg:$0x0];
	p0 =	sgt.s32 s9, $0x0;
	(pc) =	sbr.rel .LBB2_1-.Ltmp0, $4  }
0xd: {  	s1 =	rddreg [dreg:$0x3];
	_ =	strace $0x80000047;
	s9 =	simm.s32 @!p0 $0x0  }
0xe: {  	s12 =	simm.s32 $0x0;
	[sflag:s7] =	ssyncpa.u1 $0x0;
	s9 =	sadd.s32 $0x3F, s9  }
0xf: {  	s11 =	smov.u32 s2;
	[sflag:s8] =	ssyncpa.u1 $0x0;
	s9 =	sshrl.u32 s9, $0x6  }
0x10: {  	vm0 =	vmmov $0xff;
	vm1 =	vcmask $0x3F20;
	[sflag:s10] =	ssyncpa.u1 $0x0;
	p0 =	por $0x0, $0x0;
	s10 =	sadd.s32 $0x1, s9  }
.LBB2_9:
0x11: {  	s13 =	sadd.s32 $0x40, s11  }
0x12: {  	s15 =	smov.u32 s2;
	p2 =	slt.s32 s13, s5  }
0x13: {  	s15 =	smov.u32 @p2 s13;
	p2 =	sne.s32 s12, s10  }
.Ltmp1:
0x14: {  	p1 =	slt.u32 s12, $0x2;
	(pc) =	sbr.rel @!p2 .LBB2_10-.Ltmp1, $4  }
0x15: {  	s14 =	simm.s32 @!p1 $0x3  }
0x16: {  	s16 =	sadd.s32 $0x1, s12;
	_ =	swait.ge @!p1 [sflag:s14], $0xC000  }
0x17: {  	p0 =	por !p0, !p0;
	s13 =	smov.u32 s11;
	[sflag:s14] =	ssyncset.done @!p1 $0x0  }
0x18: {  	s12 =	smov.u32 s16;
	s11 =	smov.u32 s15;
	[sflag:s14] =	ssyncadd.s32 @!p1 $0xFFFF4000  }
.LBB2_1:
0x19: {  	p1 =	sge.u32 s12, s9  }
0x1a: {  	s14 =	sxor.u32 @!p1 $0xFFFFFFFF, s12  }
0x1b: {  	s31 =	sadd.s32 $0xFFFFFFFF, s12;
	s15 =	sshrl.u32 @!p1 s11, $0x3;
	s14 =	sshll.u32 @!p1 s14, $0x6  }
0x1c: {  	s16 =	sand.u32 @!p1 $0x7, s11;
	s15 =	sadd.s32 @!p1 s4, s15;
	s14 =	sand.u32 @!p1 $0x40, s14  }
0x1d: {  	[tilespmem:s14], [sflag:$0x2] =	stream.linear.gather @!p1 [hbm4b:s15+s16], $0x40, $0x38;
	[tilespmem:$0x18080] =	vst v63  }
0x1e: {  	p1 =	sge.u32 s31, s9  }
.Ltmp2:
0x1f: {  	_ = 	snop;
	(pc) =	sbr.rel @p1 .LBB2_9-.Ltmp2, $1  }
0x20: {  	_ =	sdelay $0x3  }
0x21: {  	s14 =	simm.s32 $0x1  }
0x22: {  	s14 =	simm.s32 @!p0 $0x0  }
0x23: {  	s14 =	smul.u32 $0x30000, s14;
	_ =	sdelay $0x1  }
0x24: {  	_ =	swait.ge [sflag:s8], $0x40;
	s15 =	sand.u32 $0x1, s12;
	s14 =	sshrl.u32 s14, $0x2  }
0x25: {  	s16 =	simm.s32 $0x0;
	[sflag:s8] =	ssyncset.done $0x0;
	s14 =	sor.u32 $0x80, s14  }
0x26: {  	s15 =	sshll.u32 s15, $0x6;
	[sflag:s8] =	ssyncadd.s32 $0xFFFFFFC0;
	s17 =	smov.u32 s14  }
.LBB2_3:
0x27: {  	s18 =	sshll.u32 s16, $0x4  }
0x28: {  	s18 =	sand.u32 $0x3FFFFFF0, s18  }
0x29: {  	s18 =	sadd.s32 s18, s15  }
0x2a: {  	v0 =	vld.msk [tilespmem:s18+$0x0 ss:$0x1], $0xffff;
	_ =	sdelay $0x4  }
0x2b: {  	vm2 =	vgt.s32 v0, $0x0  }
0x2c: {  	v0 =	vnsel vm2, $0x0, v0  }
0x2d: {  	v0 =	vmin.u32 v0, $0x7FFF  }
0x2e: {  	v1 =	vshrl.u32 v0, $0x3  }
0x2f: {  	v0 =	vshll.u32 v0, $0x7;
	v1 =	vmul.u32 $0x1800, v1  }
0x30: {  	v0 =	vand.u32 $0x380, v0  }
0x31: {  	v0 =	vor.u32 v0, v1  }
0x32: {  	v0 =	vshrl.u32 v0, $0x3;
	_ =	sdelay $0x3  }
0x33: {  	s19 =	sadd.s32 $0x0, s17  }
0x34: {  	[tilespmem:s19], [sflag:$0x1] =	stream.indirect_vreg.gather [hbm:s3], $0x80, v0, vm0, $0x38;
	[tilespmem:$0x18080] =	vst v63  }
0x35: {  	s18 =	simm.s32 $0x1000;
	v1 =	vadd.s32 $0x80, v0;
	s19 =	sadd.s32 $0x1800, s19  }
.LBB2_4:
0x36: {  	[tilespmem:s19], [sflag:$0x1] =	stream.indirect_vreg.gather [hbm:s3], $0x80, v0, vm1, $0x38;
	[tilespmem:$0x18080] =	vst v63  }
0x37: {  	v0 =	vmov v1;
	s19 =	smov.u32 s18;
	p1 =	sne.s32 s18, $0x5000  }
.Ltmp3:
0x38: {  	s18 =	sadd.s32 $0x1000, s18;
	(pc) =	sbr.rel @p1 .LBB2_4-.Ltmp3, $4  }
0x39: {  	s19 =	sshra.s32 s19, $0x2  }
0x3a: {  	s19 =	sadd.s32 s19, s17  }
0x3b: {  	[tilespmem:s19], [sflag:$0x1] =	stream.indirect_vreg.gather [hbm:s3], $0x80, v1, vm0, $0x38;
	[tilespmem:$0x18080] =	vst v63  }
0x3c: {  	s19 =	sadd.s32 $0x1800, s19;
	v1 =	vadd.s32 $0x80, v1  }
0x3d: {  	s16 =	sadd.s32 $0x1, s16  }
0x3e: {  	p1 =	sne.s32 s16, $0x4  }
.Ltmp4:
0x3f: {  	_ = 	snop;
	(pc) =	sbr.rel @p1 .LBB2_3-.Ltmp4, $3  }
0x40: {  	_ =	sdelay $0x1  }
0x41: {  	[tilespmem:s19], [sflag:$0x1] =	stream.indirect_vreg.gather [hbm:s3], $0x80, v0, vm1, $0x38;
	[tilespmem:$0x18080] =	vst v63  }
0x42: {  	s17 =	sadd.s32 $0x3000, s17  }
0x43: {  	s15 =	sshrl.u32 s13, $0x3  }
0x44: {  	s15 =	smul.u32 $0x300, s15  }
0x45: {  	s31 =	sshll.u32 s13, $0x4  }
0x46: {  	_ =	swait.ge [sflag:s7], $0xC000;
	s13 =	sand.u32 $0x70, s31;
	s15 =	sadd.s32 s15, s6  }
0x47: {  	s16 =	sadd.s32 $0x1800, s14;
	[sflag:s7] =	ssyncset.done $0x0;
	s13 =	sadd.s32 s13, s15  }
0x48: {  	[sflag:s7] =	ssyncadd.s32 $0xFFFF4000;
	s15 =	simm.s32 $0x300;
	s17 =	sadd.s32 $0x0, s13  }
.LBB2_7:
0x49: {  	[hbm:s17] =	stream.linear.scatter [tilespmem:s14], [sflag:$0x3], $0x1800, $0x38;
	[tilespmem:$0x18080] =	vst v63  }
0x4a: {  	s17 =	smov.u32 s15;
	s14 =	smov.u32 s16;
	p1 =	sne.s32 s15, $0x1500  }
.Ltmp5:
0x4b: {  	s15 =	sadd.s32 $0x300, s15;
	(pc) =	sbr.rel @p1 .LBB2_7-.Ltmp5, $2  }
0x4c: {  	_ =	sdelay $0x2  }
0x4d: {  	s16 =	sadd.s32 $0x1800, s16;
	s17 =	sadd.s32 s17, s13  }
.Ltmp6:
0x4e: {  	(pc) =	sbr.rel .LBB2_9-.Ltmp6, $2  }
0x4f: {  	_ =	sdelay $0x2  }
0x50: {  	[hbm:s17] =	stream.linear.scatter [tilespmem:s14], [sflag:$0x3], $0x1800, $0x38;
	[tilespmem:$0x18080] =	vst v63  }
.LBB2_10:
0x51: {  	_ =	sfence.sel $0x180000  }
0x52: {  	s2 =	simm.s32 $0x2;
	[bflag:$0x0] =	sbarrier.arrive $0xFFFF  }
0x53: {  	s30 =	simm.s32 $0x3;
	[sflag:s2] =	ssyncpa.u1 $0x1  }
0x54: {  	s31 =	simm.s32 $0x1;
	[sflag:s30] =	ssyncpa.u1 $0x1  }
0x55: {  	[sflag:s31] =	ssyncpa.u1 $0x1  }
0x56: {  	p0 =	sne.s32 s0, $0x0;
	_ =	strace $0x90000047  }
0x57: {  	s0 =	sadd.s32 @!p0 $0x100000, s1;
	[bflag:$0x2] =	sbarrier.arrive $0xFFFF  }
0x58: {  	[sflag:s0] =	ssyncadd.tile.s32 @!p0 $0x1;
	_ =	shalt  }
.Lfunc_end2:
_tile_overlayer_lowered:
.L_overlay_start_2:
0x59: {  	(tag) =	ssettag $0x2  }
0x5a: {  	s0 =	rddreg [dreg:$0x0];
	s2 =	stileid.u32  }
0x5b: {  	s1 =	rddreg [dreg:$0x1];
	p0 =	sne.s32 s2, $0x0  }
0x5c: {  	s3 =	rddreg [dreg:$0x2];
	[bflag:$0x3] =	sbarrier.arrive $0xFFFF;
	s2 =	simm.s32 @!p0 $0x1C01  }
0x5d: {  	[timem:s3], [sflag:s2] =	dma.local @!p0 [hbm:s0], s1  }
0x5e: {  	s0 =	simm.s32 @!p0 $0x1  }
0x5f: {  	_ =	swait.ge @!p0 [sflag:s0], s1  }
0x60: {  	s1 =	ssub.s32 @!p0 $0x0, s1;
	[sflag:s0] =	ssyncset.done @!p0 $0x0  }
0x61: {  	[sflag:s0] =	ssyncadd.s32 @!p0 s1  }
0x62: {  	[bflag:$0x3] =	sbarrier.arrive $0xFFFF  }
0x63: {  	_ =	shalt  }

</sc_bundles>
